<compile_context>
chip_gen: v7x
topology: tpu7x:2x2x1
jax: 0.10.2.dev20260603
libtpu: 0.0.44.dev20260713+nightly
codegen_flags: <defaults>
</compile_context>

<pallas_src>
import jax
import jax.numpy as jnp
from jax import lax
from jax.experimental import pallas as pl
from jax.experimental.pallas import tpu as pltpu
from jax.experimental.pallas import tpu_sc as plsc

_T = 8192
_SHIFT = 1000
_A = 1024
_R = _A - _SHIFT
_W = _T + _A - _SHIFT + 104
_ROWS = 16 * 128
_NW = 32
_RPW = _ROWS // _NW
_CHUNK = 8
_NCHUNK = _RPW // _CHUNK
_UNROLL = 8
_NVEC = _T // 16


def _sc_roll_body(x_hbm, out_hbm, buf):
    wid = lax.axis_index("s") * 2 + lax.axis_index("c")
    base = wid * _RPW

    def step(c, carry):
        r0 = base + c * _CHUNK
        pltpu.sync_copy(x_hbm.at[pl.ds(r0, _CHUNK), pl.ds(_T - _A, _A)],
                        buf.at[:, pl.ds(0, _A)])
        pltpu.sync_copy(x_hbm.at[pl.ds(r0, _CHUNK), pl.ds(0, _W - _A)],
                        buf.at[:, pl.ds(_A, _W - _A)])

        perm8 = ((lax.iota(jnp.int32, 16) + 8) % 16).reshape(16, 1)
        lanemask = lax.iota(jnp.int32, 16) < 8
        _gdn = lax.GatherDimensionNumbers(
            offset_dims=(), collapsed_slice_dims=(0,), start_index_map=(0,))

        def _rot8(v):
            return lax.gather(v, perm8, _gdn, (1,),
                              mode=lax.GatherScatterMode.PROMISE_IN_BOUNDS)

        for row in range(_CHUNK):
            def vec(k, vprev, row=row):
                base_col = pl.multiple_of(k * (_UNROLL * 16), _UNROLL * 16)
                for u in range(_UNROLL):
                    col = base_col + u * 16
                    vnext = buf[row, pl.ds(col + 32, 16)]
                    w = jnp.where(lanemask,
                                  _rot8(vprev),
                                  _rot8(vnext))
                    buf[row, pl.ds(col, 16)] = w
                    vprev = vnext
                return vprev

            v0 = buf[row, pl.ds(16, 16)]
            lax.fori_loop(0, _NVEC // _UNROLL, vec, v0)

        pltpu.sync_copy(buf.at[:, pl.ds(0, _T)],
                        out_hbm.at[pl.ds(r0, _CHUNK), :])
        return carry

    lax.fori_loop(0, _NCHUNK, step, 0)


@jax.jit
def kernel(x):
    rows = x.reshape(_ROWS, _T)
    out = pl.kernel(
        _sc_roll_body,
        out_type=jax.ShapeDtypeStruct((_ROWS, _T), jnp.float32),
        mesh=plsc.VectorSubcoreMesh(core_axis_name="c", subcore_axis_name="s"),
        scratch_types=[pltpu.VMEM((_CHUNK, _W), jnp.float32)],
    )(rows)
    return out.reshape(x.shape)

# --- scband reference (transcript-rebuilt; emitter-appended) ---
"""Pipeline reference for scband-translation1-d-22058952032325 (READ-ONLY COPY).

The authoritative reference and input builder live on the scoring server;
editing this copy changes nothing except your own understanding.
"""

import jax, jax.numpy as jnp
import numpy as np

N_STEPS = 1000

def setup_inputs(seed: int = 0) -> dict:
    key = jax.random.key(seed)
    x = jax.random.normal(key, (16, 128, 8192), dtype=jnp.float32)
    return {"x": x}

def reference(x):
    T = x.shape[-1]
    n_steps = N_STEPS
    perm_ids = jnp.arange(0, T)
    perm_ids = perm_ids - n_steps
    perm_ids = perm_ids % T
    return x[:, :, perm_ids]

if __name__ == "__main__":
    import jax
    _d = setup_inputs()
    print(jax.jit(kernel)(*tuple(_d.values())))

</pallas_src>

<mosaic_0001>
#map = affine_map<(d0, d1) -> (0, 0)>
module attributes {stable_mosaic.version = 14 : i64} {
  func.func @_sc_roll_body(%arg0: i32, %arg1: i32, %arg2: memref<2048x8192xf32, #tpu.memory_space<hbm>>, %arg3: memref<2048x8192xf32, #tpu.memory_space<hbm>>, %arg4: memref<8x8320xf32, #tpu.memory_space<vmem>>) attributes {dimension_semantics = [#tpu.dimension_semantics<core_parallel>, #tpu.dimension_semantics<subcore_parallel>], iteration_bounds = array<i64: 2, 16>, scalar_prefetch = 0 : i64, scratch_operands = 1 : i64, tpu.core_type = #tpu.core_type<sc_vector_subcore>, window_params = [{transform_indices = #map}, {transform_indices = #map}]} {
    %mul3A = arith.constant 2 : i32
    %mul3A_0 = arith.muli %arg1, %mul3A : i32
    %add3A = arith.addi %mul3A_0, %arg0 : i32
    %mul3A_1 = arith.constant 64 : i32
    %mul3A_2 = arith.muli %add3A, %mul3A_1 : i32
    %scan3A = arith.constant 0 : i32
    %scan3A_3 = arith.constant 0 : i32
    %scan3A_4 = arith.constant 8 : i32
    %scan3A_5 = arith.addi %scan3A_3, %scan3A_4 : i32
    %scan3A_6 = arith.constant 1 : i32
    scf.for %scan3A_8 = %scan3A_3 to %scan3A_5 step %scan3A_6  : i32 {
      %mul3A_9 = arith.constant 8 : i32
      %mul3A_10 = arith.muli %scan3A_8, %mul3A_9 : i32
      %add3A_11 = arith.addi %mul3A_2, %mul3A_10 : i32
      "tpu.region"() ({
        %run_scoped3A = tpu.sem_alloc : memref<!tpu.dma_semaphore, #tpu.memory_space<semaphore_mem>>
        %dma_start3A = arith.constant 0 : i32
        %dma_start3A_121 = arith.constant 0 : i32
        %dma_start3A_122 = tpu.memref_slice %arg4[%dma_start3A, %dma_start3A_121] : memref<8x8320xf32, #tpu.memory_space<vmem>> -> memref<8x1024xf32, #tpu.memory_space<vmem>>
        %dma_start3A_123 = arith.constant 7168 : i32
        %dma_start3A_124 = tpu.memref_slice %arg2[%add3A_11, %dma_start3A_123] : memref<2048x8192xf32, #tpu.memory_space<hbm>> -> memref<8x1024xf32, #tpu.memory_space<hbm>>
        %dma_start3A_125 = arith.constant 0 : i32
        %dma_start3A_126 = arith.constant 0 : i32
        %dma_start3A_127 = tpu.memref_slice %arg4[%dma_start3A_125, %dma_start3A_126] : memref<8x8320xf32, #tpu.memory_space<vmem>> -> memref<8x1024xf32, #tpu.memory_space<vmem>>
        %dma_start3A_128 = arith.constant 7168 : i32
        %dma_start3A_129 = tpu.memref_slice %arg2[%add3A_11, %dma_start3A_128] : memref<2048x8192xf32, #tpu.memory_space<hbm>> -> memref<8x1024xf32, #tpu.memory_space<hbm>>
        tpu.enqueue_dma source(%dma_start3A_129 : memref<8x1024xf32, #tpu.memory_space<hbm>>) target(%dma_start3A_127 : memref<8x1024xf32, #tpu.memory_space<vmem>>) target_semaphore(%run_scoped3A : memref<!tpu.dma_semaphore, #tpu.memory_space<semaphore_mem>>)
        %dma_wait3A = arith.constant 0 : i32
        %dma_wait3A_130 = arith.constant 0 : i32
        %dma_wait3A_131 = tpu.memref_slice %arg4[%dma_wait3A, %dma_wait3A_130] : memref<8x8320xf32, #tpu.memory_space<vmem>> -> memref<8x1024xf32, #tpu.memory_space<vmem>>
        %dma_wait3A_132 = arith.constant 7168 : i32
        %dma_wait3A_133 = tpu.memref_slice %arg2[%add3A_11, %dma_wait3A_132] : memref<2048x8192xf32, #tpu.memory_space<hbm>> -> memref<8x1024xf32, #tpu.memory_space<hbm>>
        %dma_wait3A_134 = arith.constant 0 : i32
        %dma_wait3A_135 = arith.constant 0 : i32
        %dma_wait3A_136 = tpu.memref_slice %arg4[%dma_wait3A_134, %dma_wait3A_135] : memref<8x8320xf32, #tpu.memory_space<vmem>> -> memref<8x1024xf32, #tpu.memory_space<vmem>>
        %dma_wait3A_137 = arith.constant 7168 : i32
        %dma_wait3A_138 = tpu.memref_slice %arg2[%add3A_11, %dma_wait3A_137] : memref<2048x8192xf32, #tpu.memory_space<hbm>> -> memref<8x1024xf32, #tpu.memory_space<hbm>>
        tpu.wait_dma2 semaphore(%run_scoped3A : memref<!tpu.dma_semaphore, #tpu.memory_space<semaphore_mem>>) src(%dma_wait3A_138 : memref<8x1024xf32, #tpu.memory_space<hbm>>) dst(%dma_wait3A_136 : memref<8x1024xf32, #tpu.memory_space<vmem>>)
        tpu.yield
      }) : () -> ()
      "tpu.region"() ({
        %run_scoped3A = tpu.sem_alloc : memref<!tpu.dma_semaphore, #tpu.memory_space<semaphore_mem>>
        %dma_start3A = arith.constant 0 : i32
        %dma_start3A_121 = arith.constant 1024 : i32
        %dma_start3A_122 = tpu.memref_slice %arg4[%dma_start3A, %dma_start3A_121] : memref<8x8320xf32, #tpu.memory_space<vmem>> -> memref<8x7296xf32, #tpu.memory_space<vmem>>
        %dma_start3A_123 = arith.constant 0 : i32
        %dma_start3A_124 = tpu.memref_slice %arg2[%add3A_11, %dma_start3A_123] : memref<2048x8192xf32, #tpu.memory_space<hbm>> -> memref<8x7296xf32, #tpu.memory_space<hbm>>
        %dma_start3A_125 = arith.constant 0 : i32
        %dma_start3A_126 = arith.constant 1024 : i32
        %dma_start3A_127 = tpu.memref_slice %arg4[%dma_start3A_125, %dma_start3A_126] : memref<8x8320xf32, #tpu.memory_space<vmem>> -> memref<8x7296xf32, #tpu.memory_space<vmem>>
        %dma_start3A_128 = arith.constant 0 : i32
        %dma_start3A_129 = tpu.memref_slice %arg2[%add3A_11, %dma_start3A_128] : memref<2048x8192xf32, #tpu.memory_space<hbm>> -> memref<8x7296xf32, #tpu.memory_space<hbm>>
        tpu.enqueue_dma source(%dma_start3A_129 : memref<8x7296xf32, #tpu.memory_space<hbm>>) target(%dma_start3A_127 : memref<8x7296xf32, #tpu.memory_space<vmem>>) target_semaphore(%run_scoped3A : memref<!tpu.dma_semaphore, #tpu.memory_space<semaphore_mem>>)
        %dma_wait3A = arith.constant 0 : i32
        %dma_wait3A_130 = arith.constant 1024 : i32
        %dma_wait3A_131 = tpu.memref_slice %arg4[%dma_wait3A, %dma_wait3A_130] : memref<8x8320xf32, #tpu.memory_space<vmem>> -> memref<8x7296xf32, #tpu.memory_space<vmem>>
        %dma_wait3A_132 = arith.constant 0 : i32
        %dma_wait3A_133 = tpu.memref_slice %arg2[%add3A_11, %dma_wait3A_132] : memref<2048x8192xf32, #tpu.memory_space<hbm>> -> memref<8x7296xf32, #tpu.memory_space<hbm>>
        %dma_wait3A_134 = arith.constant 0 : i32
        %dma_wait3A_135 = arith.constant 1024 : i32
        %dma_wait3A_136 = tpu.memref_slice %arg4[%dma_wait3A_134, %dma_wait3A_135] : memref<8x8320xf32, #tpu.memory_space<vmem>> -> memref<8x7296xf32, #tpu.memory_space<vmem>>
        %dma_wait3A_137 = arith.constant 0 : i32
        %dma_wait3A_138 = tpu.memref_slice %arg2[%add3A_11, %dma_wait3A_137] : memref<2048x8192xf32, #tpu.memory_space<hbm>> -> memref<8x7296xf32, #tpu.memory_space<hbm>>
        tpu.wait_dma2 semaphore(%run_scoped3A : memref<!tpu.dma_semaphore, #tpu.memory_space<semaphore_mem>>) src(%dma_wait3A_138 : memref<8x7296xf32, #tpu.memory_space<hbm>>) dst(%dma_wait3A_136 : memref<8x7296xf32, #tpu.memory_space<vmem>>)
        tpu.yield
      }) : () -> ()
      %iota3A = tpu.iota {dimensions = array<i32: 0>} : vector<16xi32>
      %add3A_12 = arith.constant 8 : i32
      %add3A_13 = vector.broadcast %add3A_12 : i32 to vector<16xi32>
      %add3A_14 = arith.addi %iota3A, %add3A_13 : vector<16xi32>
      %jit3A = arith.constant 16 : i32
      %eq3A = arith.constant 0 : i32
      %eq3A_15 = arith.cmpi eq, %jit3A, %eq3A : i32
      %jit3A_16 = arith.constant 1 : i32
      %select_n3A = arith.select %eq3A_15, %jit3A_16, %jit3A : i32
      %rem3A = vector.broadcast %select_n3A : i32 to vector<16xi32>
      %rem3A_17 = arith.remsi %add3A_14, %rem3A : vector<16xi32>
      %ne3A = arith.constant 0 : i32
      %ne3A_18 = vector.broadcast %ne3A : i32 to vector<16xi32>
      %ne3A_19 = arith.cmpi ne, %rem3A_17, %ne3A_18 : vector<16xi32>
      %lt3A = arith.constant 0 : i32
      %lt3A_20 = vector.broadcast %lt3A : i32 to vector<16xi32>
      %lt3A_21 = arith.cmpi slt, %rem3A_17, %lt3A_20 : vector<16xi32>
      %lt3A_22 = arith.constant 0 : i32
      %lt3A_23 = arith.cmpi slt, %select_n3A, %lt3A_22 : i32
      %ne3A_24 = vector.broadcast %lt3A_23 : i1 to vector<16xi1>
      %ne3A_25 = vector.broadcast %ne3A_24 : vector<16xi1> to vector<16xi1>
      %ne3A_26 = arith.xori %lt3A_21, %ne3A_25 : vector<16xi1>
      %and3A = arith.andi %ne3A_26, %ne3A_19 : vector<16xi1>
      %add3A_27 = vector.broadcast %select_n3A : i32 to vector<16xi32>
      %add3A_28 = arith.addi %rem3A_17, %add3A_27 : vector<16xi32>
      %select_n3A_29 = arith.select %and3A, %add3A_28, %rem3A_17 : vector<16xi1>, vector<16xi32>
      %reshape3A = vector.shape_cast %select_n3A_29 : vector<16xi32> to vector<16x1xi32>
      %iota3A_30 = tpu.iota {dimensions = array<i32: 0>} : vector<16xi32>
      %lt3A_31 = arith.constant 8 : i32
      %lt3A_32 = vector.broadcast %lt3A_31 : i32 to vector<16xi32>
      %lt3A_33 = arith.cmpi slt, %iota3A_30, %lt3A_32 : vector<16xi32>
      %get3A = arith.constant 0 : i32
      %get3A_34 = arith.index_cast %get3A : i32 to index
      %get3A_35 = arith.constant 16 : index
      %get3A_36 = tpu.vector_load %arg4[%get3A_34, %get3A_35] {strides = array<i32>} : memref<8x8320xf32, #tpu.memory_space<vmem>>, vector<1x16xf32>,
      %get3A_37 = vector.shape_cast %get3A_36 : vector<1x16xf32> to vector<16xf32>
      %scan3A_38 = arith.constant 0 : i32
      %scan3A_39 = arith.constant 64 : i32
      %scan3A_40 = arith.addi %scan3A_38, %scan3A_39 : i32
      %scan3A_41 = arith.constant 1 : i32
      %scan3A_42 = scf.for %scan3A_121 = %scan3A_38 to %scan3A_40 step %scan3A_41 iter_args(%scan3A_122 = %get3A_37) -> (vector<16xf32>)  : i32 {
        %mul3A_123 = arith.constant 128 : i32
        %mul3A_124 = arith.muli %scan3A_121, %mul3A_123 : i32
        %multiple_of3A = tpu.assume_multiple %mul3A_124, 128 : i32
        %add3A_125 = arith.constant 0 : i32
        %add3A_126 = arith.addi %multiple_of3A, %add3A_125 : i32
        %add3A_127 = arith.constant 32 : i32
        %add3A_128 = arith.addi %add3A_126, %add3A_127 : i32
        %get3A_129 = arith.constant 0 : i32
        %get3A_130 = arith.index_cast %get3A_129 : i32 to index
        %get3A_131 = arith.index_cast %add3A_128 : i32 to index
        %get3A_132 = tpu.vector_load %arg4[%get3A_130, %get3A_131] {strides = array<i32>} : memref<8x8320xf32, #tpu.memory_space<vmem>>, vector<1x16xf32>,
        %get3A_133 = vector.shape_cast %get3A_132 : vector<1x16xf32> to vector<16xf32>
        %gather3A = vector.shape_cast %reshape3A : vector<16x1xi32> to vector<16xi32>
        %gather3A_134 = tpu.dynamic_gather %scan3A_122[%gather3A] in [0] : vector<16xf32>, vector<16xi32> -> vector<16xf32>
        %gather3A_135 = vector.shape_cast %reshape3A : vector<16x1xi32> to vector<16xi32>
        %gather3A_136 = tpu.dynamic_gather %get3A_133[%gather3A_135] in [0] : vector<16xf32>, vector<16xi32> -> vector<16xf32>
        %select_n3A_137 = arith.select %lt3A_33, %gather3A_134, %gather3A_136 : vector<16xi1>, vector<16xf32>
        %swap3A = arith.constant 0 : i32
        %swap3A_138 = arith.index_cast %swap3A : i32 to index
        %swap3A_139 = arith.index_cast %add3A_126 : i32 to index
        %swap3A_140 = tpu.vector_load %arg4[%swap3A_138, %swap3A_139] {strides = array<i32>} : memref<8x8320xf32, #tpu.memory_space<vmem>>, vector<1x16xf32>,
        %swap3A_141 = vector.shape_cast %swap3A_140 : vector<1x16xf32> to vector<16xf32>
        %swap3A_142 = vector.shape_cast %select_n3A_137 : vector<16xf32> to vector<1x16xf32>
        tpu.vector_store %arg4[%swap3A_138, %swap3A_139], %swap3A_142 {strides = array<i32>} : memref<8x8320xf32, #tpu.memory_space<vmem>>, vector<1x16xf32>,
        %add3A_143 = arith.constant 16 : i32
        %add3A_144 = arith.addi %multiple_of3A, %add3A_143 : i32
        %add3A_145 = arith.constant 32 : i32
        %add3A_146 = arith.addi %add3A_144, %add3A_145 : i32
        %get3A_147 = arith.constant 0 : i32
        %get3A_148 = arith.index_cast %get3A_147 : i32 to index
        %get3A_149 = arith.index_cast %add3A_146 : i32 to index
        %get3A_150 = tpu.vector_load %arg4[%get3A_148, %get3A_149] {strides = array<i32>} : memref<8x8320xf32, #tpu.memory_space<vmem>>, vector<1x16xf32>,
        %get3A_151 = vector.shape_cast %get3A_150 : vector<1x16xf32> to vector<16xf32>
        %gather3A_152 = vector.shape_cast %reshape3A : vector<16x1xi32> to vector<16xi32>
        %gather3A_153 = tpu.dynamic_gather %get3A_133[%gather3A_152] in [0] : vector<16xf32>, vector<16xi32> -> vector<16xf32>
        %gather3A_154 = vector.shape_cast %reshape3A : vector<16x1xi32> to vector<16xi32>
        %gather3A_155 = tpu.dynamic_gather %get3A_151[%gather3A_154] in [0] : vector<16xf32>, vector<16xi32> -> vector<16xf32>
        %select_n3A_156 = arith.select %lt3A_33, %gather3A_153, %gather3A_155 : vector<16xi1>, vector<16xf32>
        %swap3A_157 = arith.constant 0 : i32
        %swap3A_158 = arith.index_cast %swap3A_157 : i32 to index
        %swap3A_159 = arith.index_cast %add3A_144 : i32 to index
        %swap3A_160 = tpu.vector_load %arg4[%swap3A_158, %swap3A_159] {strides = array<i32>} : memref<8x8320xf32, #tpu.memory_space<vmem>>, vector<1x16xf32>,
        %swap3A_161 = vector.shape_cast %swap3A_160 : vector<1x16xf32> to vector<16xf32>
        %swap3A_162 = vector.shape_cast %select_n3A_156 : vector<16xf32> to vector<1x16xf32>
        tpu.vector_store %arg4[%swap3A_158, %swap3A_159], %swap3A_162 {strides = array<i32>} : memref<8x8320xf32, #tpu.memory_space<vmem>>, vector<1x16xf32>,
        %add3A_163 = arith.constant 32 : i32
        %add3A_164 = arith.addi %multiple_of3A, %add3A_163 : i32
        %add3A_165 = arith.constant 32 : i32
        %add3A_166 = arith.addi %add3A_164, %add3A_165 : i32
        %get3A_167 = arith.constant 0 : i32
        %get3A_168 = arith.index_cast %get3A_167 : i32 to index
        %get3A_169 = arith.index_cast %add3A_166 : i32 to index
        %get3A_170 = tpu.vector_load %arg4[%get3A_168, %get3A_169] {strides = array<i32>} : memref<8x8320xf32, #tpu.memory_space<vmem>>, vector<1x16xf32>,
        %get3A_171 = vector.shape_cast %get3A_170 : vector<1x16xf32> to vector<16xf32>
        %gather3A_172 = vector.shape_cast %reshape3A : vector<16x1xi32> to vector<16xi32>
        %gather3A_173 = tpu.dynamic_gather %get3A_151[%gather3A_172] in [0] : vector<16xf32>, vector<16xi32> -> vector<16xf32>
        %gather3A_174 = vector.shape_cast %reshape3A : vector<16x1xi32> to vector<16xi32>
        %gather3A_175 = tpu.dynamic_gather %get3A_171[%gather3A_174] in [0] : vector<16xf32>, vector<16xi32> -> vector<16xf32>
        %select_n3A_176 = arith.select %lt3A_33, %gather3A_173, %gather3A_175 : vector<16xi1>, vector<16xf32>
        %swap3A_177 = arith.constant 0 : i32
        %swap3A_178 = arith.index_cast %swap3A_177 : i32 to index
        %swap3A_179 = arith.index_cast %add3A_164 : i32 to index
        %swap3A_180 = tpu.vector_load %arg4[%swap3A_178, %swap3A_179] {strides = array<i32>} : memref<8x8320xf32, #tpu.memory_space<vmem>>, vector<1x16xf32>,
        %swap3A_181 = vector.shape_cast %swap3A_180 : vector<1x16xf32> to vector<16xf32>
        %swap3A_182 = vector.shape_cast %select_n3A_176 : vector<16xf32> to vector<1x16xf32>
        tpu.vector_store %arg4[%swap3A_178, %swap3A_179], %swap3A_182 {strides = array<i32>} : memref<8x8320xf32, #tpu.memory_space<vmem>>, vector<1x16xf32>,
        %add3A_183 = arith.constant 48 : i32
        %add3A_184 = arith.addi %multiple_of3A, %add3A_183 : i32
        %add3A_185 = arith.constant 32 : i32
        %add3A_186 = arith.addi %add3A_184, %add3A_185 : i32
        %get3A_187 = arith.constant 0 : i32
        %get3A_188 = arith.index_cast %get3A_187 : i32 to index
        %get3A_189 = arith.index_cast %add3A_186 : i32 to index
        %get3A_190 = tpu.vector_load %arg4[%get3A_188, %get3A_189] {strides = array<i32>} : memref<8x8320xf32, #tpu.memory_space<vmem>>, vector<1x16xf32>,
        %get3A_191 = vector.shape_cast %get3A_190 : vector<1x16xf32> to vector<16xf32>
        %gather3A_192 = vector.shape_cast %reshape3A : vector<16x1xi32> to vector<16xi32>
        %gather3A_193 = tpu.dynamic_gather %get3A_171[%gather3A_192] in [0] : vector<16xf32>, vector<16xi32> -> vector<16xf32>
        %gather3A_194 = vector.shape_cast %reshape3A : vector<16x1xi32> to vector<16xi32>
        %gather3A_195 = tpu.dynamic_gather %get3A_191[%gather3A_194] in [0] : vector<16xf32>, vector<16xi32> -> vector<16xf32>
        %select_n3A_196 = arith.select %lt3A_33, %gather3A_193, %gather3A_195 : vector<16xi1>, vector<16xf32>
        %swap3A_197 = arith.constant 0 : i32
        %swap3A_198 = arith.index_cast %swap3A_197 : i32 to index
        %swap3A_199 = arith.index_cast %add3A_184 : i32 to index
        %swap3A_200 = tpu.vector_load %arg4[%swap3A_198, %swap3A_199] {strides = array<i32>} : memref<8x8320xf32, #tpu.memory_space<vmem>>, vector<1x16xf32>,
        %swap3A_201 = vector.shape_cast %swap3A_200 : vector<1x16xf32> to vector<16xf32>
        %swap3A_202 = vector.shape_cast %select_n3A_196 : vector<16xf32> to vector<1x16xf32>
        tpu.vector_store %arg4[%swap3A_198, %swap3A_199], %swap3A_202 {strides = array<i32>} : memref<8x8320xf32, #tpu.memory_space<vmem>>, vector<1x16xf32>,
        %add3A_203 = arith.constant 64 : i32
        %add3A_204 = arith.addi %multiple_of3A, %add3A_203 : i32
        %add3A_205 = arith.constant 32 : i32
        %add3A_206 = arith.addi %add3A_204, %add3A_205 : i32
        %get3A_207 = arith.constant 0 : i32
        %get3A_208 = arith.index_cast %get3A_207 : i32 to index
        %get3A_209 = arith.index_cast %add3A_206 : i32 to index
        %get3A_210 = tpu.vector_load %arg4[%get3A_208, %get3A_209] {strides = array<i32>} : memref<8x8320xf32, #tpu.memory_space<vmem>>, vector<1x16xf32>,
        %get3A_211 = vector.shape_cast %get3A_210 : vector<1x16xf32> to vector<16xf32>
        %gather3A_212 = vector.shape_cast %reshape3A : vector<16x1xi32> to vector<16xi32>
        %gather3A_213 = tpu.dynamic_gather %get3A_191[%gather3A_212] in [0] : vector<16xf32>, vector<16xi32> -> vector<16xf32>
        %gather3A_214 = vector.shape_cast %reshape3A : vector<16x1xi32> to vector<16xi32>
        %gather3A_215 = tpu.dynamic_gather %get3A_211[%gather3A_214] in [0] : vector<16xf32>, vector<16xi32> -> vector<16xf32>
        %select_n3A_216 = arith.select %lt3A_33, %gather3A_213, %gather3A_215 : vector<16xi1>, vector<16xf32>
        %swap3A_217 = arith.constant 0 : i32
        %swap3A_218 = arith.index_cast %swap3A_217 : i32 to index
        %swap3A_219 = arith.index_cast %add3A_204 : i32 to index
        %swap3A_220 = tpu.vector_load %arg4[%swap3A_218, %swap3A_219] {strides = array<i32>} : memref<8x8320xf32, #tpu.memory_space<vmem>>, vector<1x16xf32>,
        %swap3A_221 = vector.shape_cast %swap3A_220 : vector<1x16xf32> to vector<16xf32>
        %swap3A_222 = vector.shape_cast %select_n3A_216 : vector<16xf32> to vector<1x16xf32>
        tpu.vector_store %arg4[%swap3A_218, %swap3A_219], %swap3A_222 {strides = array<i32>} : memref<8x8320xf32, #tpu.memory_space<vmem>>, vector<1x16xf32>,
        %add3A_223 = arith.constant 80 : i32
        %add3A_224 = arith.addi %multiple_of3A, %add3A_223 : i32
        %add3A_225 = arith.constant 32 : i32
        %add3A_226 = arith.addi %add3A_224, %add3A_225 : i32
        %get3A_227 = arith.constant 0 : i32
        %get3A_228 = arith.index_cast %get3A_227 : i32 to index
        %get3A_229 = arith.index_cast %add3A_226 : i32 to index
        %get3A_230 = tpu.vector_load %arg4[%get3A_228, %get3A_229] {strides = array<i32>} : memref<8x8320xf32, #tpu.memory_space<vmem>>, vector<1x16xf32>,
        %get3A_231 = vector.shape_cast %get3A_230 : vector<1x16xf32> to vector<16xf32>
        %gather3A_232 = vector.shape_cast %reshape3A : vector<16x1xi32> to vector<16xi32>
        %gather3A_233 = tpu.dynamic_gather %get3A_211[%gather3A_232] in [0] : vector<16xf32>, vector<16xi32> -> vector<16xf32>
        %gather3A_234 = vector.shape_cast %reshape3A : vector<16x1xi32> to vector<16xi32>
        %gather3A_235 = tpu.dynamic_gather %get3A_231[%gather3A_234] in [0] : vector<16xf32>, vector<16xi32> -> vector<16xf32>
        %select_n3A_236 = arith.select %lt3A_33, %gather3A_233, %gather3A_235 : vector<16xi1>, vector<16xf32>
        %swap3A_237 = arith.constant 0 : i32
        %swap3A_238 = arith.index_cast %swap3A_237 : i32 to index
        %swap3A_239 = arith.index_cast %add3A_224 : i32 to index
        %swap3A_240 = tpu.vector_load %arg4[%swap3A_238, %swap3A_239] {strides = array<i32>} : memref<8x8320xf32, #tpu.memory_space<vmem>>, vector<1x16xf32>,
        %swap3A_241 = vector.shape_cast %swap3A_240 : vector<1x16xf32> to vector<16xf32>
        %swap3A_242 = vector.shape_cast %select_n3A_236 : vector<16xf32> to vector<1x16xf32>
        tpu.vector_store %arg4[%swap3A_238, %swap3A_239], %swap3A_242 {strides = array<i32>} : memref<8x8320xf32, #tpu.memory_space<vmem>>, vector<1x16xf32>,
        %add3A_243 = arith.constant 96 : i32
        %add3A_244 = arith.addi %multiple_of3A, %add3A_243 : i32
        %add3A_245 = arith.constant 32 : i32
        %add3A_246 = arith.addi %add3A_244, %add3A_245 : i32
        %get3A_247 = arith.constant 0 : i32
        %get3A_248 = arith.index_cast %get3A_247 : i32 to index
        %get3A_249 = arith.index_cast %add3A_246 : i32 to index
        %get3A_250 = tpu.vector_load %arg4[%get3A_248, %get3A_249] {strides = array<i32>} : memref<8x8320xf32, #tpu.memory_space<vmem>>, vector<1x16xf32>,
        %get3A_251 = vector.shape_cast %get3A_250 : vector<1x16xf32> to vector<16xf32>
        %gather3A_252 = vector.shape_cast %reshape3A : vector<16x1xi32> to vector<16xi32>
        %gather3A_253 = tpu.dynamic_gather %get3A_231[%gather3A_252] in [0] : vector<16xf32>, vector<16xi32> -> vector<16xf32>
        %gather3A_254 = vector.shape_cast %reshape3A : vector<16x1xi32> to vector<16xi32>
        %gather3A_255 = tpu.dynamic_gather %get3A_251[%gather3A_254] in [0] : vector<16xf32>, vector<16xi32> -> vector<16xf32>
        %select_n3A_256 = arith.select %lt3A_33, %gather3A_253, %gather3A_255 : vector<16xi1>, vector<16xf32>
        %swap3A_257 = arith.constant 0 : i32
        %swap3A_258 = arith.index_cast %swap3A_257 : i32 to index
        %swap3A_259 = arith.index_cast %add3A_244 : i32 to index
        %swap3A_260 = tpu.vector_load %arg4[%swap3A_258, %swap3A_259] {strides = array<i32>} : memref<8x8320xf32, #tpu.memory_space<vmem>>, vector<1x16xf32>,
        %swap3A_261 = vector.shape_cast %swap3A_260 : vector<1x16xf32> to vector<16xf32>
        %swap3A_262 = vector.shape_cast %select_n3A_256 : vector<16xf32> to vector<1x16xf32>
        tpu.vector_store %arg4[%swap3A_258, %swap3A_259], %swap3A_262 {strides = array<i32>} : memref<8x8320xf32, #tpu.memory_space<vmem>>, vector<1x16xf32>,
        %add3A_263 = arith.constant 112 : i32
        %add3A_264 = arith.addi %multiple_of3A, %add3A_263 : i32
        %add3A_265 = arith.constant 32 : i32
        %add3A_266 = arith.addi %add3A_264, %add3A_265 : i32
        %get3A_267 = arith.constant 0 : i32
        %get3A_268 = arith.index_cast %get3A_267 : i32 to index
        %get3A_269 = arith.index_cast %add3A_266 : i32 to index
        %get3A_270 = tpu.vector_load %arg4[%get3A_268, %get3A_269] {strides = array<i32>} : memref<8x8320xf32, #tpu.memory_space<vmem>>, vector<1x16xf32>,
        %get3A_271 = vector.shape_cast %get3A_270 : vector<1x16xf32> to vector<16xf32>
        %gather3A_272 = vector.shape_cast %reshape3A : vector<16x1xi32> to vector<16xi32>
        %gather3A_273 = tpu.dynamic_gather %get3A_251[%gather3A_272] in [0] : vector<16xf32>, vector<16xi32> -> vector<16xf32>
        %gather3A_274 = vector.shape_cast %reshape3A : vector<16x1xi32> to vector<16xi32>
        %gather3A_275 = tpu.dynamic_gather %get3A_271[%gather3A_274] in [0] : vector<16xf32>, vector<16xi32> -> vector<16xf32>
        %select_n3A_276 = arith.select %lt3A_33, %gather3A_273, %gather3A_275 : vector<16xi1>, vector<16xf32>
        %swap3A_277 = arith.constant 0 : i32
        %swap3A_278 = arith.index_cast %swap3A_277 : i32 to index
        %swap3A_279 = arith.index_cast %add3A_264 : i32 to index
        %swap3A_280 = tpu.vector_load %arg4[%swap3A_278, %swap3A_279] {strides = array<i32>} : memref<8x8320xf32, #tpu.memory_space<vmem>>, vector<1x16xf32>,
        %swap3A_281 = vector.shape_cast %swap3A_280 : vector<1x16xf32> to vector<16xf32>
        %swap3A_282 = vector.shape_cast %select_n3A_276 : vector<16xf32> to vector<1x16xf32>
        tpu.vector_store %arg4[%swap3A_278, %swap3A_279], %swap3A_282 {strides = array<i32>} : memref<8x8320xf32, #tpu.memory_space<vmem>>, vector<1x16xf32>,
        scf.yield %get3A_271 : vector<16xf32>
      }
      %scan3A_43 = arith.constant 64 : i32
      %get3A_44 = arith.constant 1 : i32
      %get3A_45 = arith.index_cast %get3A_44 : i32 to index
      %get3A_46 = arith.constant 16 : index
      %get3A_47 = tpu.vector_load %arg4[%get3A_45, %get3A_46] {strides = array<i32>} : memref<8x8320xf32, #tpu.memory_space<vmem>>, vector<1x16xf32>,
      %get3A_48 = vector.shape_cast %get3A_47 : vector<1x16xf32> to vector<16xf32>
      %scan3A_49 = arith.constant 0 : i32
      %scan3A_50 = arith.constant 64 : i32
      %scan3A_51 = arith.addi %scan3A_49, %scan3A_50 : i32
      %scan3A_52 = arith.constant 1 : i32
      %scan3A_53 = scf.for %scan3A_121 = %scan3A_49 to %scan3A_51 step %scan3A_52 iter_args(%scan3A_122 = %get3A_48) -> (vector<16xf32>)  : i32 {
        %mul3A_123 = arith.constant 128 : i32
        %mul3A_124 = arith.muli %scan3A_121, %mul3A_123 : i32
        %multiple_of3A = tpu.assume_multiple %mul3A_124, 128 : i32
        %add3A_125 = arith.constant 0 : i32
        %add3A_126 = arith.addi %multiple_of3A, %add3A_125 : i32
        %add3A_127 = arith.constant 32 : i32
        %add3A_128 = arith.addi %add3A_126, %add3A_127 : i32
        %get3A_129 = arith.constant 1 : i32
        %get3A_130 = arith.index_cast %get3A_129 : i32 to index
        %get3A_131 = arith.index_cast %add3A_128 : i32 to index
        %get3A_132 = tpu.vector_load %arg4[%get3A_130, %get3A_131] {strides = array<i32>} : memref<8x8320xf32, #tpu.memory_space<vmem>>, vector<1x16xf32>,
        %get3A_133 = vector.shape_cast %get3A_132 : vector<1x16xf32> to vector<16xf32>
        %gather3A = vector.shape_cast %reshape3A : vector<16x1xi32> to vector<16xi32>
        %gather3A_134 = tpu.dynamic_gather %scan3A_122[%gather3A] in [0] : vector<16xf32>, vector<16xi32> -> vector<16xf32>
        %gather3A_135 = vector.shape_cast %reshape3A : vector<16x1xi32> to vector<16xi32>
        %gather3A_136 = tpu.dynamic_gather %get3A_133[%gather3A_135] in [0] : vector<16xf32>, vector<16xi32> -> vector<16xf32>
        %select_n3A_137 = arith.select %lt3A_33, %gather3A_134, %gather3A_136 : vector<16xi1>, vector<16xf32>
        %swap3A = arith.constant 1 : i32
        %swap3A_138 = arith.index_cast %swap3A : i32 to index
        %swap3A_139 = arith.index_cast %add3A_126 : i32 to index
        %swap3A_140 = tpu.vector_load %arg4[%swap3A_138, %swap3A_139] {strides = array<i32>} : memref<8x8320xf32, #tpu.memory_space<vmem>>, vector<1x16xf32>,
        %swap3A_141 = vector.shape_cast %swap3A_140 : vector<1x16xf32> to vector<16xf32>
        %swap3A_142 = vector.shape_cast %select_n3A_137 : vector<16xf32> to vector<1x16xf32>
        tpu.vector_store %arg4[%swap3A_138, %swap3A_139], %swap3A_142 {strides = array<i32>} : memref<8x8320xf32, #tpu.memory_space<vmem>>, vector<1x16xf32>,
        %add3A_143 = arith.constant 16 : i32
        %add3A_144 = arith.addi %multiple_of3A, %add3A_143 : i32
        %add3A_145 = arith.constant 32 : i32
        %add3A_146 = arith.addi %add3A_144, %add3A_145 : i32
        %get3A_147 = arith.constant 1 : i32
        %get3A_148 = arith.index_cast %get3A_147 : i32 to index
        %get3A_149 = arith.index_cast %add3A_146 : i32 to index
        %get3A_150 = tpu.vector_load %arg4[%get3A_148, %get3A_149] {strides = array<i32>} : memref<8x8320xf32, #tpu.memory_space<vmem>>, vector<1x16xf32>,
        %get3A_151 = vector.shape_cast %get3A_150 : vector<1x16xf32> to vector<16xf32>
        %gather3A_152 = vector.shape_cast %reshape3A : vector<16x1xi32> to vector<16xi32>
        %gather3A_153 = tpu.dynamic_gather %get3A_133[%gather3A_152] in [0] : vector<16xf32>, vector<16xi32> -> vector<16xf32>
        %gather3A_154 = vector.shape_cast %reshape3A : vector<16x1xi32> to vector<16xi32>
        %gather3A_155 = tpu.dynamic_gather %get3A_151[%gather3A_154] in [0] : vector<16xf32>, vector<16xi32> -> vector<16xf32>
        %select_n3A_156 = arith.select %lt3A_33, %gather3A_153, %gather3A_155 : vector<16xi1>, vector<16xf32>
        %swap3A_157 = arith.constant 1 : i32
        %swap3A_158 = arith.index_cast %swap3A_157 : i32 to index
        %swap3A_159 = arith.index_cast %add3A_144 : i32 to index
        %swap3A_160 = tpu.vector_load %arg4[%swap3A_158, %swap3A_159] {strides = array<i32>} : memref<8x8320xf32, #tpu.memory_space<vmem>>, vector<1x16xf32>,
        %swap3A_161 = vector.shape_cast %swap3A_160 : vector<1x16xf32> to vector<16xf32>
        %swap3A_162 = vector.shape_cast %select_n3A_156 : vector<16xf32> to vector<1x16xf32>
        tpu.vector_store %arg4[%swap3A_158, %swap3A_159], %swap3A_162 {strides = array<i32>} : memref<8x8320xf32, #tpu.memory_space<vmem>>, vector<1x16xf32>,
        %add3A_163 = arith.constant 32 : i32
        %add3A_164 = arith.addi %multiple_of3A, %add3A_163 : i32
        %add3A_165 = arith.constant 32 : i32
        %add3A_166 = arith.addi %add3A_164, %add3A_165 : i32
        %get3A_167 = arith.constant 1 : i32
        %get3A_168 = arith.index_cast %get3A_167 : i32 to index
        %get3A_169 = arith.index_cast %add3A_166 : i32 to index
        %get3A_170 = tpu.vector_load %arg4[%get3A_168, %get3A_169] {strides = array<i32>} : memref<8x8320xf32, #tpu.memory_space<vmem>>, vector<1x16xf32>,
        %get3A_171 = vector.shape_cast %get3A_170 : vector<1x16xf32> to vector<16xf32>
        %gather3A_172 = vector.shape_cast %reshape3A : vector<16x1xi32> to vector<16xi32>
        %gather3A_173 = tpu.dynamic_gather %get3A_151[%gather3A_172] in [0] : vector<16xf32>, vector<16xi32> -> vector<16xf32>
        %gather3A_174 = vector.shape_cast %reshape3A : vector<16x1xi32> to vector<16xi32>
        %gather3A_175 = tpu.dynamic_gather %get3A_171[%gather3A_174] in [0] : vector<16xf32>, vector<16xi32> -> vector<16xf32>
        %select_n3A_176 = arith.select %lt3A_33, %gather3A_173, %gather3A_175 : vector<16xi1>, vector<16xf32>
        %swap3A_177 = arith.constant 1 : i32
        %swap3A_178 = arith.index_cast %swap3A_177 : i32 to index
        %swap3A_179 = arith.index_cast %add3A_164 : i32 to index
        %swap3A_180 = tpu.vector_load %arg4[%swap3A_178, %swap3A_179] {strides = array<i32>} : memref<8x8320xf32, #tpu.memory_space<vmem>>, vector<1x16xf32>,
        %swap3A_181 = vector.shape_cast %swap3A_180 : vector<1x16xf32> to vector<16xf32>
        %swap3A_182 = vector.shape_cast %select_n3A_176 : vector<16xf32> to vector<1x16xf32>
        tpu.vector_store %arg4[%swap3A_178, %swap3A_179], %swap3A_182 {strides = array<i32>} : memref<8x8320xf32, #tpu.memory_space<vmem>>, vector<1x16xf32>,
        %add3A_183 = arith.constant 48 : i32
        %add3A_184 = arith.addi %multiple_of3A, %add3A_183 : i32
        %add3A_185 = arith.constant 32 : i32
        %add3A_186 = arith.addi %add3A_184, %add3A_185 : i32
        %get3A_187 = arith.constant 1 : i32
        %get3A_188 = arith.index_cast %get3A_187 : i32 to index
        %get3A_189 = arith.index_cast %add3A_186 : i32 to index
        %get3A_190 = tpu.vector_load %arg4[%get3A_188, %get3A_189] {strides = array<i32>} : memref<8x8320xf32, #tpu.memory_space<vmem>>, vector<1x16xf32>,
        %get3A_191 = vector.shape_cast %get3A_190 : vector<1x16xf32> to vector<16xf32>
        %gather3A_192 = vector.shape_cast %reshape3A : vector<16x1xi32> to vector<16xi32>
        %gather3A_193 = tpu.dynamic_gather %get3A_171[%gather3A_192] in [0] : vector<16xf32>, vector<16xi32> -> vector<16xf32>
        %gather3A_194 = vector.shape_cast %reshape3A : vector<16x1xi32> to vector<16xi32>
        %gather3A_195 = tpu.dynamic_gather %get3A_191[%gather3A_194] in [0] : vector<16xf32>, vector<16xi32> -> vector<16xf32>
        %select_n3A_196 = arith.select %lt3A_33, %gather3A_193, %gather3A_195 : vector<16xi1>, vector<16xf32>
        %swap3A_197 = arith.constant 1 : i32
        %swap3A_198 = arith.index_cast %swap3A_197 : i32 to index
        %swap3A_199 = arith.index_cast %add3A_184 : i32 to index
        %swap3A_200 = tpu.vector_load %arg4[%swap3A_198, %swap3A_199] {strides = array<i32>} : memref<8x8320xf32, #tpu.memory_space<vmem>>, vector<1x16xf32>,
        %swap3A_201 = vector.shape_cast %swap3A_200 : vector<1x16xf32> to vector<16xf32>
        %swap3A_202 = vector.shape_cast %select_n3A_196 : vector<16xf32> to vector<1x16xf32>
        tpu.vector_store %arg4[%swap3A_198, %swap3A_199], %swap3A_202 {strides = array<i32>} : memref<8x8320xf32, #tpu.memory_space<vmem>>, vector<1x16xf32>,
        %add3A_203 = arith.constant 64 : i32
        %add3A_204 = arith.addi %multiple_of3A, %add3A_203 : i32
        %add3A_205 = arith.constant 32 : i32
        %add3A_206 = arith.addi %add3A_204, %add3A_205 : i32
        %get3A_207 = arith.constant 1 : i32
        %get3A_208 = arith.index_cast %get3A_207 : i32 to index
        %get3A_209 = arith.index_cast %add3A_206 : i32 to index
        %get3A_210 = tpu.vector_load %arg4[%get3A_208, %get3A_209] {strides = array<i32>} : memref<8x8320xf32, #tpu.memory_space<vmem>>, vector<1x16xf32>,
        %get3A_211 = vector.shape_cast %get3A_210 : vector<1x16xf32> to vector<16xf32>
        %gather3A_212 = vector.shape_cast %reshape3A : vector<16x1xi32> to vector<16xi32>
        %gather3A_213 = tpu.dynamic_gather %get3A_191[%gather3A_212] in [0] : vector<16xf32>, vector<16xi32> -> vector<16xf32>
        %gather3A_214 = vector.shape_cast %reshape3A : vector<16x1xi32> to vector<16xi32>
        %gather3A_215 = tpu.dynamic_gather %get3A_211[%gather3A_214] in [0] : vector<16xf32>, vector<16xi32> -> vector<16xf32>
        %select_n3A_216 = arith.select %lt3A_33, %gather3A_213, %gather3A_215 : vector<16xi1>, vector<16xf32>
        %swap3A_217 = arith.constant 1 : i32
        %swap3A_218 = arith.index_cast %swap3A_217 : i32 to index
        %swap3A_219 = arith.index_cast %add3A_204 : i32 to index
        %swap3A_220 = tpu.vector_load %arg4[%swap3A_218, %swap3A_219] {strides = array<i32>} : memref<8x8320xf32, #tpu.memory_space<vmem>>, vector<1x16xf32>,
        %swap3A_221 = vector.shape_cast %swap3A_220 : vector<1x16xf32> to vector<16xf32>
        %swap3A_222 = vector.shape_cast %select_n3A_216 : vector<16xf32> to vector<1x16xf32>
        tpu.vector_store %arg4[%swap3A_218, %swap3A_219], %swap3A_222 {strides = array<i32>} : memref<8x8320xf32, #tpu.memory_space<vmem>>, vector<1x16xf32>,
        %add3A_223 = arith.constant 80 : i32
        %add3A_224 = arith.addi %multiple_of3A, %add3A_223 : i32
        %add3A_225 = arith.constant 32 : i32
        %add3A_226 = arith.addi %add3A_224, %add3A_225 : i32
        %get3A_227 = arith.constant 1 : i32
        %get3A_228 = arith.index_cast %get3A_227 : i32 to index
        %get3A_229 = arith.index_cast %add3A_226 : i32 to index
        %get3A_230 = tpu.vector_load %arg4[%get3A_228, %get3A_229] {strides = array<i32>} : memref<8x8320xf32, #tpu.memory_space<vmem>>, vector<1x16xf32>,
        %get3A_231 = vector.shape_cast %get3A_230 : vector<1x16xf32> to vector<16xf32>
        %gather3A_232 = vector.shape_cast %reshape3A : vector<16x1xi32> to vector<16xi32>
        %gather3A_233 = tpu.dynamic_gather %get3A_211[%gather3A_232] in [0] : vector<16xf32>, vector<16xi32> -> vector<16xf32>
        %gather3A_234 = vector.shape_cast %reshape3A : vector<16x1xi32> to vector<16xi32>
        %gather3A_235 = tpu.dynamic_gather %get3A_231[%gather3A_234] in [0] : vector<16xf32>, vector<16xi32> -> vector<16xf32>
        %select_n3A_236 = arith.select %lt3A_33, %gather3A_233, %gather3A_235 : vector<16xi1>, vector<16xf32>
        %swap3A_237 = arith.constant 1 : i32
        %swap3A_238 = arith.index_cast %swap3A_237 : i32 to index
        %swap3A_239 = arith.index_cast %add3A_224 : i32 to index
        %swap3A_240 = tpu.vector_load %arg4[%swap3A_238, %swap3A_239] {strides = array<i32>} : memref<8x8320xf32, #tpu.memory_space<vmem>>, vector<1x16xf32>,
        %swap3A_241 = vector.shape_cast %swap3A_240 : vector<1x16xf32> to vector<16xf32>
        %swap3A_242 = vector.shape_cast %select_n3A_236 : vector<16xf32> to vector<1x16xf32>
        tpu.vector_store %arg4[%swap3A_238, %swap3A_239], %swap3A_242 {strides = array<i32>} : memref<8x8320xf32, #tpu.memory_space<vmem>>, vector<1x16xf32>,
        %add3A_243 = arith.constant 96 : i32
        %add3A_244 = arith.addi %multiple_of3A, %add3A_243 : i32
        %add3A_245 = arith.constant 32 : i32
        %add3A_246 = arith.addi %add3A_244, %add3A_245 : i32
        %get3A_247 = arith.constant 1 : i32
        %get3A_248 = arith.index_cast %get3A_247 : i32 to index
        %get3A_249 = arith.index_cast %add3A_246 : i32 to index
        %get3A_250 = tpu.vector_load %arg4[%get3A_248, %get3A_249] {strides = array<i32>} : memref<8x8320xf32, #tpu.memory_space<vmem>>, vector<1x16xf32>,
        %get3A_251 = vector.shape_cast %get3A_250 : vector<1x16xf32> to vector<16xf32>
        %gather3A_252 = vector.shape_cast %reshape3A : vector<16x1xi32> to vector<16xi32>
        %gather3A_253 = tpu.dynamic_gather %get3A_231[%gather3A_252] in [0] : vector<16xf32>, vector<16xi32> -> vector<16xf32>
        %gather3A_254 = vector.shape_cast %reshape3A : vector<16x1xi32> to vector<16xi32>
        %gather3A_255 = tpu.dynamic_gather %get3A_251[%gather3A_254] in [0] : vector<16xf32>, vector<16xi32> -> vector<16xf32>
        %select_n3A_256 = arith.select %lt3A_33, %gather3A_253, %gather3A_255 : vector<16xi1>, vector<16xf32>
        %swap3A_257 = arith.constant 1 : i32
        %swap3A_258 = arith.index_cast %swap3A_257 : i32 to index
        %swap3A_259 = arith.index_cast %add3A_244 : i32 to index
        %swap3A_260 = tpu.vector_load %arg4[%swap3A_258, %swap3A_259] {strides = array<i32>} : memref<8x8320xf32, #tpu.memory_space<vmem>>, vector<1x16xf32>,
        %swap3A_261 = vector.shape_cast %swap3A_260 : vector<1x16xf32> to vector<16xf32>
        %swap3A_262 = vector.shape_cast %select_n3A_256 : vector<16xf32> to vector<1x16xf32>
        tpu.vector_store %arg4[%swap3A_258, %swap3A_259], %swap3A_262 {strides = array<i32>} : memref<8x8320xf32, #tpu.memory_space<vmem>>, vector<1x16xf32>,
        %add3A_263 = arith.constant 112 : i32
        %add3A_264 = arith.addi %multiple_of3A, %add3A_263 : i32
        %add3A_265 = arith.constant 32 : i32
        %add3A_266 = arith.addi %add3A_264, %add3A_265 : i32
        %get3A_267 = arith.constant 1 : i32
        %get3A_268 = arith.index_cast %get3A_267 : i32 to index
        %get3A_269 = arith.index_cast %add3A_266 : i32 to index
        %get3A_270 = tpu.vector_load %arg4[%get3A_268, %get3A_269] {strides = array<i32>} : memref<8x8320xf32, #tpu.memory_space<vmem>>, vector<1x16xf32>,
        %get3A_271 = vector.shape_cast %get3A_270 : vector<1x16xf32> to vector<16xf32>
        %gather3A_272 = vector.shape_cast %reshape3A : vector<16x1xi32> to vector<16xi32>
        %gather3A_273 = tpu.dynamic_gather %get3A_251[%gather3A_272] in [0] : vector<16xf32>, vector<16xi32> -> vector<16xf32>
        %gather3A_274 = vector.shape_cast %reshape3A : vector<16x1xi32> to vector<16xi32>
        %gather3A_275 = tpu.dynamic_gather %get3A_271[%gather3A_274] in [0] : vector<16xf32>, vector<16xi32> -> vector<16xf32>
        %select_n3A_276 = arith.select %lt3A_33, %gather3A_273, %gather3A_275 : vector<16xi1>, vector<16xf32>
        %swap3A_277 = arith.constant 1 : i32
        %swap3A_278 = arith.index_cast %swap3A_277 : i32 to index
        %swap3A_279 = arith.index_cast %add3A_264 : i32 to index
        %swap3A_280 = tpu.vector_load %arg4[%swap3A_278, %swap3A_279] {strides = array<i32>} : memref<8x8320xf32, #tpu.memory_space<vmem>>, vector<1x16xf32>,
        %swap3A_281 = vector.shape_cast %swap3A_280 : vector<1x16xf32> to vector<16xf32>
        %swap3A_282 = vector.shape_cast %select_n3A_276 : vector<16xf32> to vector<1x16xf32>
        tpu.vector_store %arg4[%swap3A_278, %swap3A_279], %swap3A_282 {strides = array<i32>} : memref<8x8320xf32, #tpu.memory_space<vmem>>, vector<1x16xf32>,
        scf.yield %get3A_271 : vector<16xf32>
      }
      %scan3A_54 = arith.constant 64 : i32
      %get3A_55 = arith.constant 2 : i32
      %get3A_56 = arith.index_cast %get3A_55 : i32 to index
      %get3A_57 = arith.constant 16 : index
      %get3A_58 = tpu.vector_load %arg4[%get3A_56, %get3A_57] {strides = array<i32>} : memref<8x8320xf32, #tpu.memory_space<vmem>>, vector<1x16xf32>,
      %get3A_59 = vector.shape_cast %get3A_58 : vector<1x16xf32> to vector<16xf32>
      %scan3A_60 = arith.constant 0 : i32
      %scan3A_61 = arith.constant 64 : i32
      %scan3A_62 = arith.addi %scan3A_60, %scan3A_61 : i32
      %scan3A_63 = arith.constant 1 : i32
      %scan3A_64 = scf.for %scan3A_121 = %scan3A_60 to %scan3A_62 step %scan3A_63 iter_args(%scan3A_122 = %get3A_59) -> (vector<16xf32>)  : i32 {
        %mul3A_123 = arith.constant 128 : i32
        %mul3A_124 = arith.muli %scan3A_121, %mul3A_123 : i32
        %multiple_of3A = tpu.assume_multiple %mul3A_124, 128 : i32
        %add3A_125 = arith.constant 0 : i32
        %add3A_126 = arith.addi %multiple_of3A, %add3A_125 : i32
        %add3A_127 = arith.constant 32 : i32
        %add3A_128 = arith.addi %add3A_126, %add3A_127 : i32
        %get3A_129 = arith.constant 2 : i32
        %get3A_130 = arith.index_cast %get3A_129 : i32 to index
        %get3A_131 = arith.index_cast %add3A_128 : i32 to index
        %get3A_132 = tpu.vector_load %arg4[%get3A_130, %get3A_131] {strides = array<i32>} : memref<8x8320xf32, #tpu.memory_space<vmem>>, vector<1x16xf32>,
        %get3A_133 = vector.shape_cast %get3A_132 : vector<1x16xf32> to vector<16xf32>
        %gather3A = vector.shape_cast %reshape3A : vector<16x1xi32> to vector<16xi32>
        %gather3A_134 = tpu.dynamic_gather %scan3A_122[%gather3A] in [0] : vector<16xf32>, vector<16xi32> -> vector<16xf32>
        %gather3A_135 = vector.shape_cast %reshape3A : vector<16x1xi32> to vector<16xi32>
        %gather3A_136 = tpu.dynamic_gather %get3A_133[%gather3A_135] in [0] : vector<16xf32>, vector<16xi32> -> vector<16xf32>
        %select_n3A_137 = arith.select %lt3A_33, %gather3A_134, %gather3A_136 : vector<16xi1>, vector<16xf32>
        %swap3A = arith.constant 2 : i32
        %swap3A_138 = arith.index_cast %swap3A : i32 to index
        %swap3A_139 = arith.index_cast %add3A_126 : i32 to index
        %swap3A_140 = tpu.vector_load %arg4[%swap3A_138, %swap3A_139] {strides = array<i32>} : memref<8x8320xf32, #tpu.memory_space<vmem>>, vector<1x16xf32>,
        %swap3A_141 = vector.shape_cast %swap3A_140 : vector<1x16xf32> to vector<16xf32>
        %swap3A_142 = vector.shape_cast %select_n3A_137 : vector<16xf32> to vector<1x16xf32>
        tpu.vector_store %arg4[%swap3A_138, %swap3A_139], %swap3A_142 {strides = array<i32>} : memref<8x8320xf32, #tpu.memory_space<vmem>>, vector<1x16xf32>,
        %add3A_143 = arith.constant 16 : i32
        %add3A_144 = arith.addi %multiple_of3A, %add3A_143 : i32
        %add3A_145 = arith.constant 32 : i32
        %add3A_146 = arith.addi %add3A_144, %add3A_145 : i32
        %get3A_147 = arith.constant 2 : i32
        %get3A_148 = arith.index_cast %get3A_147 : i32 to index
        %get3A_149 = arith.index_cast %add3A_146 : i32 to index
        %get3A_150 = tpu.vector_load %arg4[%get3A_148, %get3A_149] {strides = array<i32>} : memref<8x8320xf32, #tpu.memory_space<vmem>>, vector<1x16xf32>,
        %get3A_151 = vector.shape_cast %get3A_150 : vector<1x16xf32> to vector<16xf32>
        %gather3A_152 = vector.shape_cast %reshape3A : vector<16x1xi32> to vector<16xi32>
        %gather3A_153 = tpu.dynamic_gather %get3A_133[%gather3A_152] in [0] : vector<16xf32>, vector<16xi32> -> vector<16xf32>
        %gather3A_154 = vector.shape_cast %reshape3A : vector<16x1xi32> to vector<16xi32>
        %gather3A_155 = tpu.dynamic_gather %get3A_151[%gather3A_154] in [0] : vector<16xf32>, vector<16xi32> -> vector<16xf32>
        %select_n3A_156 = arith.select %lt3A_33, %gather3A_153, %gather3A_155 : vector<16xi1>, vector<16xf32>
        %swap3A_157 = arith.constant 2 : i32
        %swap3A_158 = arith.index_cast %swap3A_157 : i32 to index
        %swap3A_159 = arith.index_cast %add3A_144 : i32 to index
        %swap3A_160 = tpu.vector_load %arg4[%swap3A_158, %swap3A_159] {strides = array<i32>} : memref<8x8320xf32, #tpu.memory_space<vmem>>, vector<1x16xf32>,
        %swap3A_161 = vector.shape_cast %swap3A_160 : vector<1x16xf32> to vector<16xf32>
        %swap3A_162 = vector.shape_cast %select_n3A_156 : vector<16xf32> to vector<1x16xf32>
        tpu.vector_store %arg4[%swap3A_158, %swap3A_159], %swap3A_162 {strides = array<i32>} : memref<8x8320xf32, #tpu.memory_space<vmem>>, vector<1x16xf32>,
        %add3A_163 = arith.constant 32 : i32
        %add3A_164 = arith.addi %multiple_of3A, %add3A_163 : i32
        %add3A_165 = arith.constant 32 : i32
        %add3A_166 = arith.addi %add3A_164, %add3A_165 : i32
        %get3A_167 = arith.constant 2 : i32
        %get3A_168 = arith.index_cast %get3A_167 : i32 to index
        %get3A_169 = arith.index_cast %add3A_166 : i32 to index
        %get3A_170 = tpu.vector_load %arg4[%get3A_168, %get3A_169] {strides = array<i32>} : memref<8x8320xf32, #tpu.memory_space<vmem>>, vector<1x16xf32>,
        %get3A_171 = vector.shape_cast %get3A_170 : vector<1x16xf32> to vector<16xf32>
        %gather3A_172 = vector.shape_cast %reshape3A : vector<16x1xi32> to vector<16xi32>
        %gather3A_173 = tpu.dynamic_gather %get3A_151[%gather3A_172] in [0] : vector<16xf32>, vector<16xi32> -> vector<16xf32>
        %gather3A_174 = vector.shape_cast %reshape3A : vector<16x1xi32> to vector<16xi32>
        %gather3A_175 = tpu.dynamic_gather %get3A_171[%gather3A_174] in [0] : vector<16xf32>, vector<16xi32> -> vector<16xf32>
        %select_n3A_176 = arith.select %lt3A_33, %gather3A_173, %gather3A_175 : vector<16xi1>, vector<16xf32>
        %swap3A_177 = arith.constant 2 : i32
        %swap3A_178 = arith.index_cast %swap3A_177 : i32 to index
        %swap3A_179 = arith.index_cast %add3A_164 : i32 to index
        %swap3A_180 = tpu.vector_load %arg4[%swap3A_178, %swap3A_179] {strides = array<i32>} : memref<8x8320xf32, #tpu.memory_space<vmem>>, vector<1x16xf32>,
        %swap3A_181 = vector.shape_cast %swap3A_180 : vector<1x16xf32> to vector<16xf32>
        %swap3A_182 = vector.shape_cast %select_n3A_176 : vector<16xf32> to vector<1x16xf32>
        tpu.vector_store %arg4[%swap3A_178, %swap3A_179], %swap3A_182 {strides = array<i32>} : memref<8x8320xf32, #tpu.memory_space<vmem>>, vector<1x16xf32>,
        %add3A_183 = arith.constant 48 : i32
        %add3A_184 = arith.addi %multiple_of3A, %add3A_183 : i32
        %add3A_185 = arith.constant 32 : i32
        %add3A_186 = arith.addi %add3A_184, %add3A_185 : i32
        %get3A_187 = arith.constant 2 : i32
        %get3A_188 = arith.index_cast %get3A_187 : i32 to index
        %get3A_189 = arith.index_cast %add3A_186 : i32 to index
        %get3A_190 = tpu.vector_load %arg4[%get3A_188, %get3A_189] {strides = array<i32>} : memref<8x8320xf32, #tpu.memory_space<vmem>>, vector<1x16xf32>,
        %get3A_191 = vector.shape_cast %get3A_190 : vector<1x16xf32> to vector<16xf32>
        %gather3A_192 = vector.shape_cast %reshape3A : vector<16x1xi32> to vector<16xi32>
        %gather3A_193 = tpu.dynamic_gather %get3A_171[%gather3A_192] in [0] : vector<16xf32>, vector<16xi32> -> vector<16xf32>
        %gather3A_194 = vector.shape_cast %reshape3A : vector<16x1xi32> to vector<16xi32>
        %gather3A_195 = tpu.dynamic_gather %get3A_191[%gather3A_194] in [0] : vector<16xf32>, vector<16xi32> -> vector<16xf32>
        %select_n3A_196 = arith.select %lt3A_33, %gather3A_193, %gather3A_195 : vector<16xi1>, vector<16xf32>
        %swap3A_197 = arith.constant 2 : i32
        %swap3A_198 = arith.index_cast %swap3A_197 : i32 to index
        %swap3A_199 = arith.index_cast %add3A_184 : i32 to index
        %swap3A_200 = tpu.vector_load %arg4[%swap3A_198, %swap3A_199] {strides = array<i32>} : memref<8x8320xf32, #tpu.memory_space<vmem>>, vector<1x16xf32>,
        %swap3A_201 = vector.shape_cast %swap3A_200 : vector<1x16xf32> to vector<16xf32>
        %swap3A_202 = vector.shape_cast %select_n3A_196 : vector<16xf32> to vector<1x16xf32>
        tpu.vector_store %arg4[%swap3A_198, %swap3A_199], %swap3A_202 {strides = array<i32>} : memref<8x8320xf32, #tpu.memory_space<vmem>>, vector<1x16xf32>,
        %add3A_203 = arith.constant 64 : i32
        %add3A_204 = arith.addi %multiple_of3A, %add3A_203 : i32
        %add3A_205 = arith.constant 32 : i32
        %add3A_206 = arith.addi %add3A_204, %add3A_205 : i32
        %get3A_207 = arith.constant 2 : i32
        %get3A_208 = arith.index_cast %get3A_207 : i32 to index
        %get3A_209 = arith.index_cast %add3A_206 : i32 to index
        %get3A_210 = tpu.vector_load %arg4[%get3A_208, %get3A_209] {strides = array<i32>} : memref<8x8320xf32, #tpu.memory_space<vmem>>, vector<1x16xf32>,
        %get3A_211 = vector.shape_cast %get3A_210 : vector<1x16xf32> to vector<16xf32>
        %gather3A_212 = vector.shape_cast %reshape3A : vector<16x1xi32> to vector<16xi32>
        %gather3A_213 = tpu.dynamic_gather %get3A_191[%gather3A_212] in [0] : vector<16xf32>, vector<16xi32> -> vector<16xf32>
        %gather3A_214 = vector.shape_cast %reshape3A : vector<16x1xi32> to vector<16xi32>
        %gather3A_215 = tpu.dynamic_gather %get3A_211[%gather3A_214] in [0] : vector<16xf32>, vector<16xi32> -> vector<16xf32>
        %select_n3A_216 = arith.select %lt3A_33, %gather3A_213, %gather3A_215 : vector<16xi1>, vector<16xf32>
        %swap3A_217 = arith.constant 2 : i32
        %swap3A_218 = arith.index_cast %swap3A_217 : i32 to index
        %swap3A_219 = arith.index_cast %add3A_204 : i32 to index
        %swap3A_220 = tpu.vector_load %arg4[%swap3A_218, %swap3A_219] {strides = array<i32>} : memref<8x8320xf32, #tpu.memory_space<vmem>>, vector<1x16xf32>,
        %swap3A_221 = vector.shape_cast %swap3A_220 : vector<1x16xf32> to vector<16xf32>
        %swap3A_222 = vector.shape_cast %select_n3A_216 : vector<16xf32> to vector<1x16xf32>
        tpu.vector_store %arg4[%swap3A_218, %swap3A_219], %swap3A_222 {strides = array<i32>} : memref<8x8320xf32, #tpu.memory_space<vmem>>, vector<1x16xf32>,
        %add3A_223 = arith.constant 80 : i32
        %add3A_224 = arith.addi %multiple_of3A, %add3A_223 : i32
        %add3A_225 = arith.constant 32 : i32
        %add3A_226 = arith.addi %add3A_224, %add3A_225 : i32
        %get3A_227 = arith.constant 2 : i32
        %get3A_228 = arith.index_cast %get3A_227 : i32 to index
        %get3A_229 = arith.index_cast %add3A_226 : i32 to index
        %get3A_230 = tpu.vector_load %arg4[%get3A_228, %get3A_229] {strides = array<i32>} : memref<8x8320xf32, #tpu.memory_space<vmem>>, vector<1x16xf32>,
        %get3A_231 = vector.shape_cast %get3A_230 : vector<1x16xf32> to vector<16xf32>
        %gather3A_232 = vector.shape_cast %reshape3A : vector<16x1xi32> to vector<16xi32>
        %gather3A_233 = tpu.dynamic_gather %get3A_211[%gather3A_232] in [0] : vector<16xf32>, vector<16xi32> -> vector<16xf32>
        %gather3A_234 = vector.shape_cast %reshape3A : vector<16x1xi32> to vector<16xi32>
        %gather3A_235 = tpu.dynamic_gather %get3A_231[%gather3A_234] in [0] : vector<16xf32>, vector<16xi32> -> vector<16xf32>
        %select_n3A_236 = arith.select %lt3A_33, %gather3A_233, %gather3A_235 : vector<16xi1>, vector<16xf32>
        %swap3A_237 = arith.constant 2 : i32
        %swap3A_238 = arith.index_cast %swap3A_237 : i32 to index
        %swap3A_239 = arith.index_cast %add3A_224 : i32 to index
        %swap3A_240 = tpu.vector_load %arg4[%swap3A_238, %swap3A_239] {strides = array<i32>} : memref<8x8320xf32, #tpu.memory_space<vmem>>, vector<1x16xf32>,
        %swap3A_241 = vector.shape_cast %swap3A_240 : vector<1x16xf32> to vector<16xf32>
        %swap3A_242 = vector.shape_cast %select_n3A_236 : vector<16xf32> to vector<1x16xf32>
        tpu.vector_store %arg4[%swap3A_238, %swap3A_239], %swap3A_242 {strides = array<i32>} : memref<8x8320xf32, #tpu.memory_space<vmem>>, vector<1x16xf32>,
        %add3A_243 = arith.constant 96 : i32
        %add3A_244 = arith.addi %multiple_of3A, %add3A_243 : i32
        %add3A_245 = arith.constant 32 : i32
        %add3A_246 = arith.addi %add3A_244, %add3A_245 : i32
        %get3A_247 = arith.constant 2 : i32
        %get3A_248 = arith.index_cast %get3A_247 : i32 to index
        %get3A_249 = arith.index_cast %add3A_246 : i32 to index
        %get3A_250 = tpu.vector_load %arg4[%get3A_248, %get3A_249] {strides = array<i32>} : memref<8x8320xf32, #tpu.memory_space<vmem>>, vector<1x16xf32>,
        %get3A_251 = vector.shape_cast %get3A_250 : vector<1x16xf32> to vector<16xf32>
        %gather3A_252 = vector.shape_cast %reshape3A : vector<16x1xi32> to vector<16xi32>
        %gather3A_253 = tpu.dynamic_gather %get3A_231[%gather3A_252] in [0] : vector<16xf32>, vector<16xi32> -> vector<16xf32>
        %gather3A_254 = vector.shape_cast %reshape3A : vector<16x1xi32> to vector<16xi32>
        %gather3A_255 = tpu.dynamic_gather %get3A_251[%gather3A_254] in [0] : vector<16xf32>, vector<16xi32> -> vector<16xf32>
        %select_n3A_256 = arith.select %lt3A_33, %gather3A_253, %gather3A_255 : vector<16xi1>, vector<16xf32>
        %swap3A_257 = arith.constant 2 : i32
        %swap3A_258 = arith.index_cast %swap3A_257 : i32 to index
        %swap3A_259 = arith.index_cast %add3A_244 : i32 to index
        %swap3A_260 = tpu.vector_load %arg4[%swap3A_258, %swap3A_259] {strides = array<i32>} : memref<8x8320xf32, #tpu.memory_space<vmem>>, vector<1x16xf32>,
        %swap3A_261 = vector.shape_cast %swap3A_260 : vector<1x16xf32> to vector<16xf32>
        %swap3A_262 = vector.shape_cast %select_n3A_256 : vector<16xf32> to vector<1x16xf32>
        tpu.vector_store %arg4[%swap3A_258, %swap3A_259], %swap3A_262 {strides = array<i32>} : memref<8x8320xf32, #tpu.memory_space<vmem>>, vector<1x16xf32>,
        %add3A_263 = arith.constant 112 : i32
        %add3A_264 = arith.addi %multiple_of3A, %add3A_263 : i32
        %add3A_265 = arith.constant 32 : i32
        %add3A_266 = arith.addi %add3A_264, %add3A_265 : i32
        %get3A_267 = arith.constant 2 : i32
        %get3A_268 = arith.index_cast %get3A_267 : i32 to index
        %get3A_269 = arith.index_cast %add3A_266 : i32 to index
        %get3A_270 = tpu.vector_load %arg4[%get3A_268, %get3A_269] {strides = array<i32>} : memref<8x8320xf32, #tpu.memory_space<vmem>>, vector<1x16xf32>,
        %get3A_271 = vector.shape_cast %get3A_270 : vector<1x16xf32> to vector<16xf32>
        %gather3A_272 = vector.shape_cast %reshape3A : vector<16x1xi32> to vector<16xi32>
        %gather3A_273 = tpu.dynamic_gather %get3A_251[%gather3A_272] in [0] : vector<16xf32>, vector<16xi32> -> vector<16xf32>
        %gather3A_274 = vector.shape_cast %reshape3A : vector<16x1xi32> to vector<16xi32>
        %gather3A_275 = tpu.dynamic_gather %get3A_271[%gather3A_274] in [0] : vector<16xf32>, vector<16xi32> -> vector<16xf32>
        %select_n3A_276 = arith.select %lt3A_33, %gather3A_273, %gather3A_275 : vector<16xi1>, vector<16xf32>
        %swap3A_277 = arith.constant 2 : i32
        %swap3A_278 = arith.index_cast %swap3A_277 : i32 to index
        %swap3A_279 = arith.index_cast %add3A_264 : i32 to index
        %swap3A_280 = tpu.vector_load %arg4[%swap3A_278, %swap3A_279] {strides = array<i32>} : memref<8x8320xf32, #tpu.memory_space<vmem>>, vector<1x16xf32>,
        %swap3A_281 = vector.shape_cast %swap3A_280 : vector<1x16xf32> to vector<16xf32>
        %swap3A_282 = vector.shape_cast %select_n3A_276 : vector<16xf32> to vector<1x16xf32>
        tpu.vector_store %arg4[%swap3A_278, %swap3A_279], %swap3A_282 {strides = array<i32>} : memref<8x8320xf32, #tpu.memory_space<vmem>>, vector<1x16xf32>,
        scf.yield %get3A_271 : vector<16xf32>
      }
      %scan3A_65 = arith.constant 64 : i32
      %get3A_66 = arith.constant 3 : i32
      %get3A_67 = arith.index_cast %get3A_66 : i32 to index
      %get3A_68 = arith.constant 16 : index
      %get3A_69 = tpu.vector_load %arg4[%get3A_67, %get3A_68] {strides = array<i32>} : memref<8x8320xf32, #tpu.memory_space<vmem>>, vector<1x16xf32>,
      %get3A_70 = vector.shape_cast %get3A_69 : vector<1x16xf32> to vector<16xf32>
      %scan3A_71 = arith.constant 0 : i32
      %scan3A_72 = arith.constant 64 : i32
      %scan3A_73 = arith.addi %scan3A_71, %scan3A_72 : i32
      %scan3A_74 = arith.constant 1 : i32
      %scan3A_75 = scf.for %scan3A_121 = %scan3A_71 to %scan3A_73 step %scan3A_74 iter_args(%scan3A_122 = %get3A_70) -> (vector<16xf32>)  : i32 {
        %mul3A_123 = arith.constant 128 : i32
        %mul3A_124 = arith.muli %scan3A_121, %mul3A_123 : i32
        %multiple_of3A = tpu.assume_multiple %mul3A_124, 128 : i32
        %add3A_125 = arith.constant 0 : i32
        %add3A_126 = arith.addi %multiple_of3A, %add3A_125 : i32
        %add3A_127 = arith.constant 32 : i32
        %add3A_128 = arith.addi %add3A_126, %add3A_127 : i32
        %get3A_129 = arith.constant 3 : i32
        %get3A_130 = arith.index_cast %get3A_129 : i32 to index
        %get3A_131 = arith.index_cast %add3A_128 : i32 to index
        %get3A_132 = tpu.vector_load %arg4[%get3A_130, %get3A_131] {strides = array<i32>} : memref<8x8320xf32, #tpu.memory_space<vmem>>, vector<1x16xf32>,
        %get3A_133 = vector.shape_cast %get3A_132 : vector<1x16xf32> to vector<16xf32>
        %gather3A = vector.shape_cast %reshape3A : vector<16x1xi32> to vector<16xi32>
        %gather3A_134 = tpu.dynamic_gather %scan3A_122[%gather3A] in [0] : vector<16xf32>, vector<16xi32> -> vector<16xf32>
        %gather3A_135 = vector.shape_cast %reshape3A : vector<16x1xi32> to vector<16xi32>
        %gather3A_136 = tpu.dynamic_gather %get3A_133[%gather3A_135] in [0] : vector<16xf32>, vector<16xi32> -> vector<16xf32>
        %select_n3A_137 = arith.select %lt3A_33, %gather3A_134, %gather3A_136 : vector<16xi1>, vector<16xf32>
        %swap3A = arith.constant 3 : i32
        %swap3A_138 = arith.index_cast %swap3A : i32 to index
        %swap3A_139 = arith.index_cast %add3A_126 : i32 to index
        %swap3A_140 = tpu.vector_load %arg4[%swap3A_138, %swap3A_139] {strides = array<i32>} : memref<8x8320xf32, #tpu.memory_space<vmem>>, vector<1x16xf32>,
        %swap3A_141 = vector.shape_cast %swap3A_140 : vector<1x16xf32> to vector<16xf32>
        %swap3A_142 = vector.shape_cast %select_n3A_137 : vector<16xf32> to vector<1x16xf32>
        tpu.vector_store %arg4[%swap3A_138, %swap3A_139], %swap3A_142 {strides = array<i32>} : memref<8x8320xf32, #tpu.memory_space<vmem>>, vector<1x16xf32>,
        %add3A_143 = arith.constant 16 : i32
        %add3A_144 = arith.addi %multiple_of3A, %add3A_143 : i32
        %add3A_145 = arith.constant 32 : i32
        %add3A_146 = arith.addi %add3A_144, %add3A_145 : i32
        %get3A_147 = arith.constant 3 : i32
        %get3A_148 = arith.index_cast %get3A_147 : i32 to index
        %get3A_149 = arith.index_cast %add3A_146 : i32 to index
        %get3A_150 = tpu.vector_load %arg4[%get3A_148, %get3A_149] {strides = array<i32>} : memref<8x8320xf32, #tpu.memory_space<vmem>>, vector<1x16xf32>,
        %get3A_151 = vector.shape_cast %get3A_150 : vector<1x16xf32> to vector<16xf32>
        %gather3A_152 = vector.shape_cast %reshape3A : vector<16x1xi32> to vector<16xi32>
        %gather3A_153 = tpu.dynamic_gather %get3A_133[%gather3A_152] in [0] : vector<16xf32>, vector<16xi32> -> vector<16xf32>
        %gather3A_154 = vector.shape_cast %reshape3A : vector<16x1xi32> to vector<16xi32>
        %gather3A_155 = tpu.dynamic_gather %get3A_151[%gather3A_154] in [0] : vector<16xf32>, vector<16xi32> -> vector<16xf32>
        %select_n3A_156 = arith.select %lt3A_33, %gather3A_153, %gather3A_155 : vector<16xi1>, vector<16xf32>
        %swap3A_157 = arith.constant 3 : i32
        %swap3A_158 = arith.index_cast %swap3A_157 : i32 to index
        %swap3A_159 = arith.index_cast %add3A_144 : i32 to index
        %swap3A_160 = tpu.vector_load %arg4[%swap3A_158, %swap3A_159] {strides = array<i32>} : memref<8x8320xf32, #tpu.memory_space<vmem>>, vector<1x16xf32>,
        %swap3A_161 = vector.shape_cast %swap3A_160 : vector<1x16xf32> to vector<16xf32>
        %swap3A_162 = vector.shape_cast %select_n3A_156 : vector<16xf32> to vector<1x16xf32>
        tpu.vector_store %arg4[%swap3A_158, %swap3A_159], %swap3A_162 {strides = array<i32>} : memref<8x8320xf32, #tpu.memory_space<vmem>>, vector<1x16xf32>,
        %add3A_163 = arith.constant 32 : i32
        %add3A_164 = arith.addi %multiple_of3A, %add3A_163 : i32
        %add3A_165 = arith.constant 32 : i32
        %add3A_166 = arith.addi %add3A_164, %add3A_165 : i32
        %get3A_167 = arith.constant 3 : i32
        %get3A_168 = arith.index_cast %get3A_167 : i32 to index
        %get3A_169 = arith.index_cast %add3A_166 : i32 to index
        %get3A_170 = tpu.vector_load %arg4[%get3A_168, %get3A_169] {strides = array<i32>} : memref<8x8320xf32, #tpu.memory_space<vmem>>, vector<1x16xf32>,
        %get3A_171 = vector.shape_cast %get3A_170 : vector<1x16xf32> to vector<16xf32>
        %gather3A_172 = vector.shape_cast %reshape3A : vector<16x1xi32> to vector<16xi32>
        %gather3A_173 = tpu.dynamic_gather %get3A_151[%gather3A_172] in [0] : vector<16xf32>, vector<16xi32> -> vector<16xf32>
        %gather3A_174 = vector.shape_cast %reshape3A : vector<16x1xi32> to vector<16xi32>
        %gather3A_175 = tpu.dynamic_gather %get3A_171[%gather3A_174] in [0] : vector<16xf32>, vector<16xi32> -> vector<16xf32>
        %select_n3A_176 = arith.select %lt3A_33, %gather3A_173, %gather3A_175 : vector<16xi1>, vector<16xf32>
        %swap3A_177 = arith.constant 3 : i32
        %swap3A_178 = arith.index_cast %swap3A_177 : i32 to index
        %swap3A_179 = arith.index_cast %add3A_164 : i32 to index
        %swap3A_180 = tpu.vector_load %arg4[%swap3A_178, %swap3A_179] {strides = array<i32>} : memref<8x8320xf32, #tpu.memory_space<vmem>>, vector<1x16xf32>,
        %swap3A_181 = vector.shape_cast %swap3A_180 : vector<1x16xf32> to vector<16xf32>
        %swap3A_182 = vector.shape_cast %select_n3A_176 : vector<16xf32> to vector<1x16xf32>
        tpu.vector_store %arg4[%swap3A_178, %swap3A_179], %swap3A_182 {strides = array<i32>} : memref<8x8320xf32, #tpu.memory_space<vmem>>, vector<1x16xf32>,
        %add3A_183 = arith.constant 48 : i32
        %add3A_184 = arith.addi %multiple_of3A, %add3A_183 : i32
        %add3A_185 = arith.constant 32 : i32
        %add3A_186 = arith.addi %add3A_184, %add3A_185 : i32
        %get3A_187 = arith.constant 3 : i32
        %get3A_188 = arith.index_cast %get3A_187 : i32 to index
        %get3A_189 = arith.index_cast %add3A_186 : i32 to index
        %get3A_190 = tpu.vector_load %arg4[%get3A_188, %get3A_189] {strides = array<i32>} : memref<8x8320xf32, #tpu.memory_space<vmem>>, vector<1x16xf32>,
        %get3A_191 = vector.shape_cast %get3A_190 : vector<1x16xf32> to vector<16xf32>
        %gather3A_192 = vector.shape_cast %reshape3A : vector<16x1xi32> to vector<16xi32>
        %gather3A_193 = tpu.dynamic_gather %get3A_171[%gather3A_192] in [0] : vector<16xf32>, vector<16xi32> -> vector<16xf32>
        %gather3A_194 = vector.shape_cast %reshape3A : vector<16x1xi32> to vector<16xi32>
        %gather3A_195 = tpu.dynamic_gather %get3A_191[%gather3A_194] in [0] : vector<16xf32>, vector<16xi32> -> vector<16xf32>
        %select_n3A_196 = arith.select %lt3A_33, %gather3A_193, %gather3A_195 : vector<16xi1>, vector<16xf32>
        %swap3A_197 = arith.constant 3 : i32
        %swap3A_198 = arith.index_cast %swap3A_197 : i32 to index
        %swap3A_199 = arith.index_cast %add3A_184 : i32 to index
        %swap3A_200 = tpu.vector_load %arg4[%swap3A_198, %swap3A_199] {strides = array<i32>} : memref<8x8320xf32, #tpu.memory_space<vmem>>, vector<1x16xf32>,
        %swap3A_201 = vector.shape_cast %swap3A_200 : vector<1x16xf32> to vector<16xf32>
        %swap3A_202 = vector.shape_cast %select_n3A_196 : vector<16xf32> to vector<1x16xf32>
        tpu.vector_store %arg4[%swap3A_198, %swap3A_199], %swap3A_202 {strides = array<i32>} : memref<8x8320xf32, #tpu.memory_space<vmem>>, vector<1x16xf32>,
        %add3A_203 = arith.constant 64 : i32
        %add3A_204 = arith.addi %multiple_of3A, %add3A_203 : i32
        %add3A_205 = arith.constant 32 : i32
        %add3A_206 = arith.addi %add3A_204, %add3A_205 : i32
        %get3A_207 = arith.constant 3 : i32
        %get3A_208 = arith.index_cast %get3A_207 : i32 to index
        %get3A_209 = arith.index_cast %add3A_206 : i32 to index
        %get3A_210 = tpu.vector_load %arg4[%get3A_208, %get3A_209] {strides = array<i32>} : memref<8x8320xf32, #tpu.memory_space<vmem>>, vector<1x16xf32>,
        %get3A_211 = vector.shape_cast %get3A_210 : vector<1x16xf32> to vector<16xf32>
        %gather3A_212 = vector.shape_cast %reshape3A : vector<16x1xi32> to vector<16xi32>
        %gather3A_213 = tpu.dynamic_gather %get3A_191[%gather3A_212] in [0] : vector<16xf32>, vector<16xi32> -> vector<16xf32>
        %gather3A_214 = vector.shape_cast %reshape3A : vector<16x1xi32> to vector<16xi32>
        %gather3A_215 = tpu.dynamic_gather %get3A_211[%gather3A_214] in [0] : vector<16xf32>, vector<16xi32> -> vector<16xf32>
        %select_n3A_216 = arith.select %lt3A_33, %gather3A_213, %gather3A_215 : vector<16xi1>, vector<16xf32>
        %swap3A_217 = arith.constant 3 : i32
        %swap3A_218 = arith.index_cast %swap3A_217 : i32 to index
        %swap3A_219 = arith.index_cast %add3A_204 : i32 to index
        %swap3A_220 = tpu.vector_load %arg4[%swap3A_218, %swap3A_219] {strides = array<i32>} : memref<8x8320xf32, #tpu.memory_space<vmem>>, vector<1x16xf32>,
        %swap3A_221 = vector.shape_cast %swap3A_220 : vector<1x16xf32> to vector<16xf32>
        %swap3A_222 = vector.shape_cast %select_n3A_216 : vector<16xf32> to vector<1x16xf32>
        tpu.vector_store %arg4[%swap3A_218, %swap3A_219], %swap3A_222 {strides = array<i32>} : memref<8x8320xf32, #tpu.memory_space<vmem>>, vector<1x16xf32>,
        %add3A_223 = arith.constant 80 : i32
        %add3A_224 = arith.addi %multiple_of3A, %add3A_223 : i32
        %add3A_225 = arith.constant 32 : i32
        %add3A_226 = arith.addi %add3A_224, %add3A_225 : i32
        %get3A_227 = arith.constant 3 : i32
        %get3A_228 = arith.index_cast %get3A_227 : i32 to index
        %get3A_229 = arith.index_cast %add3A_226 : i32 to index
        %get3A_230 = tpu.vector_load %arg4[%get3A_228, %get3A_229] {strides = array<i32>} : memref<8x8320xf32, #tpu.memory_space<vmem>>, vector<1x16xf32>,
        %get3A_231 = vector.shape_cast %get3A_230 : vector<1x16xf32> to vector<16xf32>
        %gather3A_232 = vector.shape_cast %reshape3A : vector<16x1xi32> to vector<16xi32>
        %gather3A_233 = tpu.dynamic_gather %get3A_211[%gather3A_232] in [0] : vector<16xf32>, vector<16xi32> -> vector<16xf32>
        %gather3A_234 = vector.shape_cast %reshape3A : vector<16x1xi32> to vector<16xi32>
        %gather3A_235 = tpu.dynamic_gather %get3A_231[%gather3A_234] in [0] : vector<16xf32>, vector<16xi32> -> vector<16xf32>
        %select_n3A_236 = arith.select %lt3A_33, %gather3A_233, %gather3A_235 : vector<16xi1>, vector<16xf32>
        %swap3A_237 = arith.constant 3 : i32
        %swap3A_238 = arith.index_cast %swap3A_237 : i32 to index
        %swap3A_239 = arith.index_cast %add3A_224 : i32 to index
        %swap3A_240 = tpu.vector_load %arg4[%swap3A_238, %swap3A_239] {strides = array<i32>} : memref<8x8320xf32, #tpu.memory_space<vmem>>, vector<1x16xf32>,
        %swap3A_241 = vector.shape_cast %swap3A_240 : vector<1x16xf32> to vector<16xf32>
        %swap3A_242 = vector.shape_cast %select_n3A_236 : vector<16xf32> to vector<1x16xf32>
        tpu.vector_store %arg4[%swap3A_238, %swap3A_239], %swap3A_242 {strides = array<i32>} : memref<8x8320xf32, #tpu.memory_space<vmem>>, vector<1x16xf32>,
        %add3A_243 = arith.constant 96 : i32
        %add3A_244 = arith.addi %multiple_of3A, %add3A_243 : i32
        %add3A_245 = arith.constant 32 : i32
        %add3A_246 = arith.addi %add3A_244, %add3A_245 : i32
        %get3A_247 = arith.constant 3 : i32
        %get3A_248 = arith.index_cast %get3A_247 : i32 to index
        %get3A_249 = arith.index_cast %add3A_246 : i32 to index
        %get3A_250 = tpu.vector_load %arg4[%get3A_248, %get3A_249] {strides = array<i32>} : memref<8x8320xf32, #tpu.memory_space<vmem>>, vector<1x16xf32>,
        %get3A_251 = vector.shape_cast %get3A_250 : vector<1x16xf32> to vector<16xf32>
        %gather3A_252 = vector.shape_cast %reshape3A : vector<16x1xi32> to vector<16xi32>
        %gather3A_253 = tpu.dynamic_gather %get3A_231[%gather3A_252] in [0] : vector<16xf32>, vector<16xi32> -> vector<16xf32>
        %gather3A_254 = vector.shape_cast %reshape3A : vector<16x1xi32> to vector<16xi32>
        %gather3A_255 = tpu.dynamic_gather %get3A_251[%gather3A_254] in [0] : vector<16xf32>, vector<16xi32> -> vector<16xf32>
        %select_n3A_256 = arith.select %lt3A_33, %gather3A_253, %gather3A_255 : vector<16xi1>, vector<16xf32>
        %swap3A_257 = arith.constant 3 : i32
        %swap3A_258 = arith.index_cast %swap3A_257 : i32 to index
        %swap3A_259 = arith.index_cast %add3A_244 : i32 to index
        %swap3A_260 = tpu.vector_load %arg4[%swap3A_258, %swap3A_259] {strides = array<i32>} : memref<8x8320xf32, #tpu.memory_space<vmem>>, vector<1x16xf32>,
        %swap3A_261 = vector.shape_cast %swap3A_260 : vector<1x16xf32> to vector<16xf32>
        %swap3A_262 = vector.shape_cast %select_n3A_256 : vector<16xf32> to vector<1x16xf32>
        tpu.vector_store %arg4[%swap3A_258, %swap3A_259], %swap3A_262 {strides = array<i32>} : memref<8x8320xf32, #tpu.memory_space<vmem>>, vector<1x16xf32>,
        %add3A_263 = arith.constant 112 : i32
        %add3A_264 = arith.addi %multiple_of3A, %add3A_263 : i32
        %add3A_265 = arith.constant 32 : i32
        %add3A_266 = arith.addi %add3A_264, %add3A_265 : i32
        %get3A_267 = arith.constant 3 : i32
        %get3A_268 = arith.index_cast %get3A_267 : i32 to index
        %get3A_269 = arith.index_cast %add3A_266 : i32 to index
        %get3A_270 = tpu.vector_load %arg4[%get3A_268, %get3A_269] {strides = array<i32>} : memref<8x8320xf32, #tpu.memory_space<vmem>>, vector<1x16xf32>,
        %get3A_271 = vector.shape_cast %get3A_270 : vector<1x16xf32> to vector<16xf32>
        %gather3A_272 = vector.shape_cast %reshape3A : vector<16x1xi32> to vector<16xi32>
        %gather3A_273 = tpu.dynamic_gather %get3A_251[%gather3A_272] in [0] : vector<16xf32>, vector<16xi32> -> vector<16xf32>
        %gather3A_274 = vector.shape_cast %reshape3A : vector<16x1xi32> to vector<16xi32>
        %gather3A_275 = tpu.dynamic_gather %get3A_271[%gather3A_274] in [0] : vector<16xf32>, vector<16xi32> -> vector<16xf32>
        %select_n3A_276 = arith.select %lt3A_33, %gather3A_273, %gather3A_275 : vector<16xi1>, vector<16xf32>
        %swap3A_277 = arith.constant 3 : i32
        %swap3A_278 = arith.index_cast %swap3A_277 : i32 to index
        %swap3A_279 = arith.index_cast %add3A_264 : i32 to index
        %swap3A_280 = tpu.vector_load %arg4[%swap3A_278, %swap3A_279] {strides = array<i32>} : memref<8x8320xf32, #tpu.memory_space<vmem>>, vector<1x16xf32>,
        %swap3A_281 = vector.shape_cast %swap3A_280 : vector<1x16xf32> to vector<16xf32>
        %swap3A_282 = vector.shape_cast %select_n3A_276 : vector<16xf32> to vector<1x16xf32>
        tpu.vector_store %arg4[%swap3A_278, %swap3A_279], %swap3A_282 {strides = array<i32>} : memref<8x8320xf32, #tpu.memory_space<vmem>>, vector<1x16xf32>,
        scf.yield %get3A_271 : vector<16xf32>
      }
      %scan3A_76 = arith.constant 64 : i32
      %get3A_77 = arith.constant 4 : i32
      %get3A_78 = arith.index_cast %get3A_77 : i32 to index
      %get3A_79 = arith.constant 16 : index
      %get3A_80 = tpu.vector_load %arg4[%get3A_78, %get3A_79] {strides = array<i32>} : memref<8x8320xf32, #tpu.memory_space<vmem>>, vector<1x16xf32>,
      %get3A_81 = vector.shape_cast %get3A_80 : vector<1x16xf32> to vector<16xf32>
      %scan3A_82 = arith.constant 0 : i32
      %scan3A_83 = arith.constant 64 : i32
      %scan3A_84 = arith.addi %scan3A_82, %scan3A_83 : i32
      %scan3A_85 = arith.constant 1 : i32
      %scan3A_86 = scf.for %scan3A_121 = %scan3A_82 to %scan3A_84 step %scan3A_85 iter_args(%scan3A_122 = %get3A_81) -> (vector<16xf32>)  : i32 {
        %mul3A_123 = arith.constant 128 : i32
        %mul3A_124 = arith.muli %scan3A_121, %mul3A_123 : i32
        %multiple_of3A = tpu.assume_multiple %mul3A_124, 128 : i32
        %add3A_125 = arith.constant 0 : i32
        %add3A_126 = arith.addi %multiple_of3A, %add3A_125 : i32
        %add3A_127 = arith.constant 32 : i32
        %add3A_128 = arith.addi %add3A_126, %add3A_127 : i32
        %get3A_129 = arith.constant 4 : i32
        %get3A_130 = arith.index_cast %get3A_129 : i32 to index
        %get3A_131 = arith.index_cast %add3A_128 : i32 to index
        %get3A_132 = tpu.vector_load %arg4[%get3A_130, %get3A_131] {strides = array<i32>} : memref<8x8320xf32, #tpu.memory_space<vmem>>, vector<1x16xf32>,
        %get3A_133 = vector.shape_cast %get3A_132 : vector<1x16xf32> to vector<16xf32>
        %gather3A = vector.shape_cast %reshape3A : vector<16x1xi32> to vector<16xi32>
        %gather3A_134 = tpu.dynamic_gather %scan3A_122[%gather3A] in [0] : vector<16xf32>, vector<16xi32> -> vector<16xf32>
        %gather3A_135 = vector.shape_cast %reshape3A : vector<16x1xi32> to vector<16xi32>
        %gather3A_136 = tpu.dynamic_gather %get3A_133[%gather3A_135] in [0] : vector<16xf32>, vector<16xi32> -> vector<16xf32>
        %select_n3A_137 = arith.select %lt3A_33, %gather3A_134, %gather3A_136 : vector<16xi1>, vector<16xf32>
        %swap3A = arith.constant 4 : i32
        %swap3A_138 = arith.index_cast %swap3A : i32 to index
        %swap3A_139 = arith.index_cast %add3A_126 : i32 to index
        %swap3A_140 = tpu.vector_load %arg4[%swap3A_138, %swap3A_139] {strides = array<i32>} : memref<8x8320xf32, #tpu.memory_space<vmem>>, vector<1x16xf32>,
        %swap3A_141 = vector.shape_cast %swap3A_140 : vector<1x16xf32> to vector<16xf32>
        %swap3A_142 = vector.shape_cast %select_n3A_137 : vector<16xf32> to vector<1x16xf32>
        tpu.vector_store %arg4[%swap3A_138, %swap3A_139], %swap3A_142 {strides = array<i32>} : memref<8x8320xf32, #tpu.memory_space<vmem>>, vector<1x16xf32>,
        %add3A_143 = arith.constant 16 : i32
        %add3A_144 = arith.addi %multiple_of3A, %add3A_143 : i32
        %add3A_145 = arith.constant 32 : i32
        %add3A_146 = arith.addi %add3A_144, %add3A_145 : i32
        %get3A_147 = arith.constant 4 : i32
        %get3A_148 = arith.index_cast %get3A_147 : i32 to index
        %get3A_149 = arith.index_cast %add3A_146 : i32 to index
        %get3A_150 = tpu.vector_load %arg4[%get3A_148, %get3A_149] {strides = array<i32>} : memref<8x8320xf32, #tpu.memory_space<vmem>>, vector<1x16xf32>,
        %get3A_151 = vector.shape_cast %get3A_150 : vector<1x16xf32> to vector<16xf32>
        %gather3A_152 = vector.shape_cast %reshape3A : vector<16x1xi32> to vector<16xi32>
        %gather3A_153 = tpu.dynamic_gather %get3A_133[%gather3A_152] in [0] : vector<16xf32>, vector<16xi32> -> vector<16xf32>
        %gather3A_154 = vector.shape_cast %reshape3A : vector<16x1xi32> to vector<16xi32>
        %gather3A_155 = tpu.dynamic_gather %get3A_151[%gather3A_154] in [0] : vector<16xf32>, vector<16xi32> -> vector<16xf32>
        %select_n3A_156 = arith.select %lt3A_33, %gather3A_153, %gather3A_155 : vector<16xi1>, vector<16xf32>
        %swap3A_157 = arith.constant 4 : i32
        %swap3A_158 = arith.index_cast %swap3A_157 : i32 to index
        %swap3A_159 = arith.index_cast %add3A_144 : i32 to index
        %swap3A_160 = tpu.vector_load %arg4[%swap3A_158, %swap3A_159] {strides = array<i32>} : memref<8x8320xf32, #tpu.memory_space<vmem>>, vector<1x16xf32>,
        %swap3A_161 = vector.shape_cast %swap3A_160 : vector<1x16xf32> to vector<16xf32>
        %swap3A_162 = vector.shape_cast %select_n3A_156 : vector<16xf32> to vector<1x16xf32>
        tpu.vector_store %arg4[%swap3A_158, %swap3A_159], %swap3A_162 {strides = array<i32>} : memref<8x8320xf32, #tpu.memory_space<vmem>>, vector<1x16xf32>,
        %add3A_163 = arith.constant 32 : i32
        %add3A_164 = arith.addi %multiple_of3A, %add3A_163 : i32
        %add3A_165 = arith.constant 32 : i32
        %add3A_166 = arith.addi %add3A_164, %add3A_165 : i32
        %get3A_167 = arith.constant 4 : i32
        %get3A_168 = arith.index_cast %get3A_167 : i32 to index
        %get3A_169 = arith.index_cast %add3A_166 : i32 to index
        %get3A_170 = tpu.vector_load %arg4[%get3A_168, %get3A_169] {strides = array<i32>} : memref<8x8320xf32, #tpu.memory_space<vmem>>, vector<1x16xf32>,
        %get3A_171 = vector.shape_cast %get3A_170 : vector<1x16xf32> to vector<16xf32>
        %gather3A_172 = vector.shape_cast %reshape3A : vector<16x1xi32> to vector<16xi32>
        %gather3A_173 = tpu.dynamic_gather %get3A_151[%gather3A_172] in [0] : vector<16xf32>, vector<16xi32> -> vector<16xf32>
        %gather3A_174 = vector.shape_cast %reshape3A : vector<16x1xi32> to vector<16xi32>
        %gather3A_175 = tpu.dynamic_gather %get3A_171[%gather3A_174] in [0] : vector<16xf32>, vector<16xi32> -> vector<16xf32>
        %select_n3A_176 = arith.select %lt3A_33, %gather3A_173, %gather3A_175 : vector<16xi1>, vector<16xf32>
        %swap3A_177 = arith.constant 4 : i32
        %swap3A_178 = arith.index_cast %swap3A_177 : i32 to index
        %swap3A_179 = arith.index_cast %add3A_164 : i32 to index
        %swap3A_180 = tpu.vector_load %arg4[%swap3A_178, %swap3A_179] {strides = array<i32>} : memref<8x8320xf32, #tpu.memory_space<vmem>>, vector<1x16xf32>,
        %swap3A_181 = vector.shape_cast %swap3A_180 : vector<1x16xf32> to vector<16xf32>
        %swap3A_182 = vector.shape_cast %select_n3A_176 : vector<16xf32> to vector<1x16xf32>
        tpu.vector_store %arg4[%swap3A_178, %swap3A_179], %swap3A_182 {strides = array<i32>} : memref<8x8320xf32, #tpu.memory_space<vmem>>, vector<1x16xf32>,
        %add3A_183 = arith.constant 48 : i32
        %add3A_184 = arith.addi %multiple_of3A, %add3A_183 : i32
        %add3A_185 = arith.constant 32 : i32
        %add3A_186 = arith.addi %add3A_184, %add3A_185 : i32
        %get3A_187 = arith.constant 4 : i32
        %get3A_188 = arith.index_cast %get3A_187 : i32 to index
        %get3A_189 = arith.index_cast %add3A_186 : i32 to index
        %get3A_190 = tpu.vector_load %arg4[%get3A_188, %get3A_189] {strides = array<i32>} : memref<8x8320xf32, #tpu.memory_space<vmem>>, vector<1x16xf32>,
        %get3A_191 = vector.shape_cast %get3A_190 : vector<1x16xf32> to vector<16xf32>
        %gather3A_192 = vector.shape_cast %reshape3A : vector<16x1xi32> to vector<16xi32>
        %gather3A_193 = tpu.dynamic_gather %get3A_171[%gather3A_192] in [0] : vector<16xf32>, vector<16xi32> -> vector<16xf32>
        %gather3A_194 = vector.shape_cast %reshape3A : vector<16x1xi32> to vector<16xi32>
        %gather3A_195 = tpu.dynamic_gather %get3A_191[%gather3A_194] in [0] : vector<16xf32>, vector<16xi32> -> vector<16xf32>
        %select_n3A_196 = arith.select %lt3A_33, %gather3A_193, %gather3A_195 : vector<16xi1>, vector<16xf32>
        %swap3A_197 = arith.constant 4 : i32
        %swap3A_198 = arith.index_cast %swap3A_197 : i32 to index
        %swap3A_199 = arith.index_cast %add3A_184 : i32 to index
        %swap3A_200 = tpu.vector_load %arg4[%swap3A_198, %swap3A_199] {strides = array<i32>} : memref<8x8320xf32, #tpu.memory_space<vmem>>, vector<1x16xf32>,
        %swap3A_201 = vector.shape_cast %swap3A_200 : vector<1x16xf32> to vector<16xf32>
        %swap3A_202 = vector.shape_cast %select_n3A_196 : vector<16xf32> to vector<1x16xf32>
        tpu.vector_store %arg4[%swap3A_198, %swap3A_199], %swap3A_202 {strides = array<i32>} : memref<8x8320xf32, #tpu.memory_space<vmem>>, vector<1x16xf32>,
        %add3A_203 = arith.constant 64 : i32
        %add3A_204 = arith.addi %multiple_of3A, %add3A_203 : i32
        %add3A_205 = arith.constant 32 : i32
        %add3A_206 = arith.addi %add3A_204, %add3A_205 : i32
        %get3A_207 = arith.constant 4 : i32
        %get3A_208 = arith.index_cast %get3A_207 : i32 to index
        %get3A_209 = arith.index_cast %add3A_206 : i32 to index
        %get3A_210 = tpu.vector_load %arg4[%get3A_208, %get3A_209] {strides = array<i32>} : memref<8x8320xf32, #tpu.memory_space<vmem>>, vector<1x16xf32>,
        %get3A_211 = vector.shape_cast %get3A_210 : vector<1x16xf32> to vector<16xf32>
        %gather3A_212 = vector.shape_cast %reshape3A : vector<16x1xi32> to vector<16xi32>
        %gather3A_213 = tpu.dynamic_gather %get3A_191[%gather3A_212] in [0] : vector<16xf32>, vector<16xi32> -> vector<16xf32>
        %gather3A_214 = vector.shape_cast %reshape3A : vector<16x1xi32> to vector<16xi32>
        %gather3A_215 = tpu.dynamic_gather %get3A_211[%gather3A_214] in [0] : vector<16xf32>, vector<16xi32> -> vector<16xf32>
        %select_n3A_216 = arith.select %lt3A_33, %gather3A_213, %gather3A_215 : vector<16xi1>, vector<16xf32>
        %swap3A_217 = arith.constant 4 : i32
        %swap3A_218 = arith.index_cast %swap3A_217 : i32 to index
        %swap3A_219 = arith.index_cast %add3A_204 : i32 to index
        %swap3A_220 = tpu.vector_load %arg4[%swap3A_218, %swap3A_219] {strides = array<i32>} : memref<8x8320xf32, #tpu.memory_space<vmem>>, vector<1x16xf32>,
        %swap3A_221 = vector.shape_cast %swap3A_220 : vector<1x16xf32> to vector<16xf32>
        %swap3A_222 = vector.shape_cast %select_n3A_216 : vector<16xf32> to vector<1x16xf32>
        tpu.vector_store %arg4[%swap3A_218, %swap3A_219], %swap3A_222 {strides = array<i32>} : memref<8x8320xf32, #tpu.memory_space<vmem>>, vector<1x16xf32>,
        %add3A_223 = arith.constant 80 : i32
        %add3A_224 = arith.addi %multiple_of3A, %add3A_223 : i32
        %add3A_225 = arith.constant 32 : i32
        %add3A_226 = arith.addi %add3A_224, %add3A_225 : i32
        %get3A_227 = arith.constant 4 : i32
        %get3A_228 = arith.index_cast %get3A_227 : i32 to index
        %get3A_229 = arith.index_cast %add3A_226 : i32 to index
        %get3A_230 = tpu.vector_load %arg4[%get3A_228, %get3A_229] {strides = array<i32>} : memref<8x8320xf32, #tpu.memory_space<vmem>>, vector<1x16xf32>,
        %get3A_231 = vector.shape_cast %get3A_230 : vector<1x16xf32> to vector<16xf32>
        %gather3A_232 = vector.shape_cast %reshape3A : vector<16x1xi32> to vector<16xi32>
        %gather3A_233 = tpu.dynamic_gather %get3A_211[%gather3A_232] in [0] : vector<16xf32>, vector<16xi32> -> vector<16xf32>
        %gather3A_234 = vector.shape_cast %reshape3A : vector<16x1xi32> to vector<16xi32>
        %gather3A_235 = tpu.dynamic_gather %get3A_231[%gather3A_234] in [0] : vector<16xf32>, vector<16xi32> -> vector<16xf32>
        %select_n3A_236 = arith.select %lt3A_33, %gather3A_233, %gather3A_235 : vector<16xi1>, vector<16xf32>
        %swap3A_237 = arith.constant 4 : i32
        %swap3A_238 = arith.index_cast %swap3A_237 : i32 to index
        %swap3A_239 = arith.index_cast %add3A_224 : i32 to index
        %swap3A_240 = tpu.vector_load %arg4[%swap3A_238, %swap3A_239] {strides = array<i32>} : memref<8x8320xf32, #tpu.memory_space<vmem>>, vector<1x16xf32>,
        %swap3A_241 = vector.shape_cast %swap3A_240 : vector<1x16xf32> to vector<16xf32>
        %swap3A_242 = vector.shape_cast %select_n3A_236 : vector<16xf32> to vector<1x16xf32>
        tpu.vector_store %arg4[%swap3A_238, %swap3A_239], %swap3A_242 {strides = array<i32>} : memref<8x8320xf32, #tpu.memory_space<vmem>>, vector<1x16xf32>,
        %add3A_243 = arith.constant 96 : i32
        %add3A_244 = arith.addi %multiple_of3A, %add3A_243 : i32
        %add3A_245 = arith.constant 32 : i32
        %add3A_246 = arith.addi %add3A_244, %add3A_245 : i32
        %get3A_247 = arith.constant 4 : i32
        %get3A_248 = arith.index_cast %get3A_247 : i32 to index
        %get3A_249 = arith.index_cast %add3A_246 : i32 to index
        %get3A_250 = tpu.vector_load %arg4[%get3A_248, %get3A_249] {strides = array<i32>} : memref<8x8320xf32, #tpu.memory_space<vmem>>, vector<1x16xf32>,
        %get3A_251 = vector.shape_cast %get3A_250 : vector<1x16xf32> to vector<16xf32>
        %gather3A_252 = vector.shape_cast %reshape3A : vector<16x1xi32> to vector<16xi32>
        %gather3A_253 = tpu.dynamic_gather %get3A_231[%gather3A_252] in [0] : vector<16xf32>, vector<16xi32> -> vector<16xf32>
        %gather3A_254 = vector.shape_cast %reshape3A : vector<16x1xi32> to vector<16xi32>
        %gather3A_255 = tpu.dynamic_gather %get3A_251[%gather3A_254] in [0] : vector<16xf32>, vector<16xi32> -> vector<16xf32>
        %select_n3A_256 = arith.select %lt3A_33, %gather3A_253, %gather3A_255 : vector<16xi1>, vector<16xf32>
        %swap3A_257 = arith.constant 4 : i32
        %swap3A_258 = arith.index_cast %swap3A_257 : i32 to index
        %swap3A_259 = arith.index_cast %add3A_244 : i32 to index
        %swap3A_260 = tpu.vector_load %arg4[%swap3A_258, %swap3A_259] {strides = array<i32>} : memref<8x8320xf32, #tpu.memory_space<vmem>>, vector<1x16xf32>,
        %swap3A_261 = vector.shape_cast %swap3A_260 : vector<1x16xf32> to vector<16xf32>
        %swap3A_262 = vector.shape_cast %select_n3A_256 : vector<16xf32> to vector<1x16xf32>
        tpu.vector_store %arg4[%swap3A_258, %swap3A_259], %swap3A_262 {strides = array<i32>} : memref<8x8320xf32, #tpu.memory_space<vmem>>, vector<1x16xf32>,
        %add3A_263 = arith.constant 112 : i32
        %add3A_264 = arith.addi %multiple_of3A, %add3A_263 : i32
        %add3A_265 = arith.constant 32 : i32
        %add3A_266 = arith.addi %add3A_264, %add3A_265 : i32
        %get3A_267 = arith.constant 4 : i32
        %get3A_268 = arith.index_cast %get3A_267 : i32 to index
        %get3A_269 = arith.index_cast %add3A_266 : i32 to index
        %get3A_270 = tpu.vector_load %arg4[%get3A_268, %get3A_269] {strides = array<i32>} : memref<8x8320xf32, #tpu.memory_space<vmem>>, vector<1x16xf32>,
        %get3A_271 = vector.shape_cast %get3A_270 : vector<1x16xf32> to vector<16xf32>
        %gather3A_272 = vector.shape_cast %reshape3A : vector<16x1xi32> to vector<16xi32>
        %gather3A_273 = tpu.dynamic_gather %get3A_251[%gather3A_272] in [0] : vector<16xf32>, vector<16xi32> -> vector<16xf32>
        %gather3A_274 = vector.shape_cast %reshape3A : vector<16x1xi32> to vector<16xi32>
        %gather3A_275 = tpu.dynamic_gather %get3A_271[%gather3A_274] in [0] : vector<16xf32>, vector<16xi32> -> vector<16xf32>
        %select_n3A_276 = arith.select %lt3A_33, %gather3A_273, %gather3A_275 : vector<16xi1>, vector<16xf32>
        %swap3A_277 = arith.constant 4 : i32
        %swap3A_278 = arith.index_cast %swap3A_277 : i32 to index
        %swap3A_279 = arith.index_cast %add3A_264 : i32 to index
        %swap3A_280 = tpu.vector_load %arg4[%swap3A_278, %swap3A_279] {strides = array<i32>} : memref<8x8320xf32, #tpu.memory_space<vmem>>, vector<1x16xf32>,
        %swap3A_281 = vector.shape_cast %swap3A_280 : vector<1x16xf32> to vector<16xf32>
        %swap3A_282 = vector.shape_cast %select_n3A_276 : vector<16xf32> to vector<1x16xf32>
        tpu.vector_store %arg4[%swap3A_278, %swap3A_279], %swap3A_282 {strides = array<i32>} : memref<8x8320xf32, #tpu.memory_space<vmem>>, vector<1x16xf32>,
        scf.yield %get3A_271 : vector<16xf32>
      }
      %scan3A_87 = arith.constant 64 : i32
      %get3A_88 = arith.constant 5 : i32
      %get3A_89 = arith.index_cast %get3A_88 : i32 to index
      %get3A_90 = arith.constant 16 : index
      %get3A_91 = tpu.vector_load %arg4[%get3A_89, %get3A_90] {strides = array<i32>} : memref<8x8320xf32, #tpu.memory_space<vmem>>, vector<1x16xf32>,
      %get3A_92 = vector.shape_cast %get3A_91 : vector<1x16xf32> to vector<16xf32>
      %scan3A_93 = arith.constant 0 : i32
      %scan3A_94 = arith.constant 64 : i32
      %scan3A_95 = arith.addi %scan3A_93, %scan3A_94 : i32
      %scan3A_96 = arith.constant 1 : i32
      %scan3A_97 = scf.for %scan3A_121 = %scan3A_93 to %scan3A_95 step %scan3A_96 iter_args(%scan3A_122 = %get3A_92) -> (vector<16xf32>)  : i32 {
        %mul3A_123 = arith.constant 128 : i32
        %mul3A_124 = arith.muli %scan3A_121, %mul3A_123 : i32
        %multiple_of3A = tpu.assume_multiple %mul3A_124, 128 : i32
        %add3A_125 = arith.constant 0 : i32
        %add3A_126 = arith.addi %multiple_of3A, %add3A_125 : i32
        %add3A_127 = arith.constant 32 : i32
        %add3A_128 = arith.addi %add3A_126, %add3A_127 : i32
        %get3A_129 = arith.constant 5 : i32
        %get3A_130 = arith.index_cast %get3A_129 : i32 to index
        %get3A_131 = arith.index_cast %add3A_128 : i32 to index
        %get3A_132 = tpu.vector_load %arg4[%get3A_130, %get3A_131] {strides = array<i32>} : memref<8x8320xf32, #tpu.memory_space<vmem>>, vector<1x16xf32>,
        %get3A_133 = vector.shape_cast %get3A_132 : vector<1x16xf32> to vector<16xf32>
        %gather3A = vector.shape_cast %reshape3A : vector<16x1xi32> to vector<16xi32>
        %gather3A_134 = tpu.dynamic_gather %scan3A_122[%gather3A] in [0] : vector<16xf32>, vector<16xi32> -> vector<16xf32>
        %gather3A_135 = vector.shape_cast %reshape3A : vector<16x1xi32> to vector<16xi32>
        %gather3A_136 = tpu.dynamic_gather %get3A_133[%gather3A_135] in [0] : vector<16xf32>, vector<16xi32> -> vector<16xf32>
        %select_n3A_137 = arith.select %lt3A_33, %gather3A_134, %gather3A_136 : vector<16xi1>, vector<16xf32>
        %swap3A = arith.constant 5 : i32
        %swap3A_138 = arith.index_cast %swap3A : i32 to index
        %swap3A_139 = arith.index_cast %add3A_126 : i32 to index
        %swap3A_140 = tpu.vector_load %arg4[%swap3A_138, %swap3A_139] {strides = array<i32>} : memref<8x8320xf32, #tpu.memory_space<vmem>>, vector<1x16xf32>,
        %swap3A_141 = vector.shape_cast %swap3A_140 : vector<1x16xf32> to vector<16xf32>
        %swap3A_142 = vector.shape_cast %select_n3A_137 : vector<16xf32> to vector<1x16xf32>
        tpu.vector_store %arg4[%swap3A_138, %swap3A_139], %swap3A_142 {strides = array<i32>} : memref<8x8320xf32, #tpu.memory_space<vmem>>, vector<1x16xf32>,
        %add3A_143 = arith.constant 16 : i32
        %add3A_144 = arith.addi %multiple_of3A, %add3A_143 : i32
        %add3A_145 = arith.constant 32 : i32
        %add3A_146 = arith.addi %add3A_144, %add3A_145 : i32
        %get3A_147 = arith.constant 5 : i32
        %get3A_148 = arith.index_cast %get3A_147 : i32 to index
        %get3A_149 = arith.index_cast %add3A_146 : i32 to index
        %get3A_150 = tpu.vector_load %arg4[%get3A_148, %get3A_149] {strides = array<i32>} : memref<8x8320xf32, #tpu.memory_space<vmem>>, vector<1x16xf32>,
        %get3A_151 = vector.shape_cast %get3A_150 : vector<1x16xf32> to vector<16xf32>
        %gather3A_152 = vector.shape_cast %reshape3A : vector<16x1xi32> to vector<16xi32>
        %gather3A_153 = tpu.dynamic_gather %get3A_133[%gather3A_152] in [0] : vector<16xf32>, vector<16xi32> -> vector<16xf32>
        %gather3A_154 = vector.shape_cast %reshape3A : vector<16x1xi32> to vector<16xi32>
        %gather3A_155 = tpu.dynamic_gather %get3A_151[%gather3A_154] in [0] : vector<16xf32>, vector<16xi32> -> vector<16xf32>
        %select_n3A_156 = arith.select %lt3A_33, %gather3A_153, %gather3A_155 : vector<16xi1>, vector<16xf32>
        %swap3A_157 = arith.constant 5 : i32
        %swap3A_158 = arith.index_cast %swap3A_157 : i32 to index
        %swap3A_159 = arith.index_cast %add3A_144 : i32 to index
        %swap3A_160 = tpu.vector_load %arg4[%swap3A_158, %swap3A_159] {strides = array<i32>} : memref<8x8320xf32, #tpu.memory_space<vmem>>, vector<1x16xf32>,
        %swap3A_161 = vector.shape_cast %swap3A_160 : vector<1x16xf32> to vector<16xf32>
        %swap3A_162 = vector.shape_cast %select_n3A_156 : vector<16xf32> to vector<1x16xf32>
        tpu.vector_store %arg4[%swap3A_158, %swap3A_159], %swap3A_162 {strides = array<i32>} : memref<8x8320xf32, #tpu.memory_space<vmem>>, vector<1x16xf32>,
        %add3A_163 = arith.constant 32 : i32
        %add3A_164 = arith.addi %multiple_of3A, %add3A_163 : i32
        %add3A_165 = arith.constant 32 : i32
        %add3A_166 = arith.addi %add3A_164, %add3A_165 : i32
        %get3A_167 = arith.constant 5 : i32
        %get3A_168 = arith.index_cast %get3A_167 : i32 to index
        %get3A_169 = arith.index_cast %add3A_166 : i32 to index
        %get3A_170 = tpu.vector_load %arg4[%get3A_168, %get3A_169] {strides = array<i32>} : memref<8x8320xf32, #tpu.memory_space<vmem>>, vector<1x16xf32>,
        %get3A_171 = vector.shape_cast %get3A_170 : vector<1x16xf32> to vector<16xf32>
        %gather3A_172 = vector.shape_cast %reshape3A : vector<16x1xi32> to vector<16xi32>
        %gather3A_173 = tpu.dynamic_gather %get3A_151[%gather3A_172] in [0] : vector<16xf32>, vector<16xi32> -> vector<16xf32>
        %gather3A_174 = vector.shape_cast %reshape3A : vector<16x1xi32> to vector<16xi32>
        %gather3A_175 = tpu.dynamic_gather %get3A_171[%gather3A_174] in [0] : vector<16xf32>, vector<16xi32> -> vector<16xf32>
        %select_n3A_176 = arith.select %lt3A_33, %gather3A_173, %gather3A_175 : vector<16xi1>, vector<16xf32>
        %swap3A_177 = arith.constant 5 : i32
        %swap3A_178 = arith.index_cast %swap3A_177 : i32 to index
        %swap3A_179 = arith.index_cast %add3A_164 : i32 to index
        %swap3A_180 = tpu.vector_load %arg4[%swap3A_178, %swap3A_179] {strides = array<i32>} : memref<8x8320xf32, #tpu.memory_space<vmem>>, vector<1x16xf32>,
        %swap3A_181 = vector.shape_cast %swap3A_180 : vector<1x16xf32> to vector<16xf32>
        %swap3A_182 = vector.shape_cast %select_n3A_176 : vector<16xf32> to vector<1x16xf32>
        tpu.vector_store %arg4[%swap3A_178, %swap3A_179], %swap3A_182 {strides = array<i32>} : memref<8x8320xf32, #tpu.memory_space<vmem>>, vector<1x16xf32>,
        %add3A_183 = arith.constant 48 : i32
        %add3A_184 = arith.addi %multiple_of3A, %add3A_183 : i32
        %add3A_185 = arith.constant 32 : i32
        %add3A_186 = arith.addi %add3A_184, %add3A_185 : i32
        %get3A_187 = arith.constant 5 : i32
        %get3A_188 = arith.index_cast %get3A_187 : i32 to index
        %get3A_189 = arith.index_cast %add3A_186 : i32 to index
        %get3A_190 = tpu.vector_load %arg4[%get3A_188, %get3A_189] {strides = array<i32>} : memref<8x8320xf32, #tpu.memory_space<vmem>>, vector<1x16xf32>,
        %get3A_191 = vector.shape_cast %get3A_190 : vector<1x16xf32> to vector<16xf32>
        %gather3A_192 = vector.shape_cast %reshape3A : vector<16x1xi32> to vector<16xi32>
        %gather3A_193 = tpu.dynamic_gather %get3A_171[%gather3A_192] in [0] : vector<16xf32>, vector<16xi32> -> vector<16xf32>
        %gather3A_194 = vector.shape_cast %reshape3A : vector<16x1xi32> to vector<16xi32>
        %gather3A_195 = tpu.dynamic_gather %get3A_191[%gather3A_194] in [0] : vector<16xf32>, vector<16xi32> -> vector<16xf32>
        %select_n3A_196 = arith.select %lt3A_33, %gather3A_193, %gather3A_195 : vector<16xi1>, vector<16xf32>
        %swap3A_197 = arith.constant 5 : i32
        %swap3A_198 = arith.index_cast %swap3A_197 : i32 to index
        %swap3A_199 = arith.index_cast %add3A_184 : i32 to index
        %swap3A_200 = tpu.vector_load %arg4[%swap3A_198, %swap3A_199] {strides = array<i32>} : memref<8x8320xf32, #tpu.memory_space<vmem>>, vector<1x16xf32>,
        %swap3A_201 = vector.shape_cast %swap3A_200 : vector<1x16xf32> to vector<16xf32>
        %swap3A_202 = vector.shape_cast %select_n3A_196 : vector<16xf32> to vector<1x16xf32>
        tpu.vector_store %arg4[%swap3A_198, %swap3A_199], %swap3A_202 {strides = array<i32>} : memref<8x8320xf32, #tpu.memory_space<vmem>>, vector<1x16xf32>,
        %add3A_203 = arith.constant 64 : i32
        %add3A_204 = arith.addi %multiple_of3A, %add3A_203 : i32
        %add3A_205 = arith.constant 32 : i32
        %add3A_206 = arith.addi %add3A_204, %add3A_205 : i32
        %get3A_207 = arith.constant 5 : i32
        %get3A_208 = arith.index_cast %get3A_207 : i32 to index
        %get3A_209 = arith.index_cast %add3A_206 : i32 to index
        %get3A_210 = tpu.vector_load %arg4[%get3A_208, %get3A_209] {strides = array<i32>} : memref<8x8320xf32, #tpu.memory_space<vmem>>, vector<1x16xf32>,
        %get3A_211 = vector.shape_cast %get3A_210 : vector<1x16xf32> to vector<16xf32>
        %gather3A_212 = vector.shape_cast %reshape3A : vector<16x1xi32> to vector<16xi32>
        %gather3A_213 = tpu.dynamic_gather %get3A_191[%gather3A_212] in [0] : vector<16xf32>, vector<16xi32> -> vector<16xf32>
        %gather3A_214 = vector.shape_cast %reshape3A : vector<16x1xi32> to vector<16xi32>
        %gather3A_215 = tpu.dynamic_gather %get3A_211[%gather3A_214] in [0] : vector<16xf32>, vector<16xi32> -> vector<16xf32>
        %select_n3A_216 = arith.select %lt3A_33, %gather3A_213, %gather3A_215 : vector<16xi1>, vector<16xf32>
        %swap3A_217 = arith.constant 5 : i32
        %swap3A_218 = arith.index_cast %swap3A_217 : i32 to index
        %swap3A_219 = arith.index_cast %add3A_204 : i32 to index
        %swap3A_220 = tpu.vector_load %arg4[%swap3A_218, %swap3A_219] {strides = array<i32>} : memref<8x8320xf32, #tpu.memory_space<vmem>>, vector<1x16xf32>,
        %swap3A_221 = vector.shape_cast %swap3A_220 : vector<1x16xf32> to vector<16xf32>
        %swap3A_222 = vector.shape_cast %select_n3A_216 : vector<16xf32> to vector<1x16xf32>
        tpu.vector_store %arg4[%swap3A_218, %swap3A_219], %swap3A_222 {strides = array<i32>} : memref<8x8320xf32, #tpu.memory_space<vmem>>, vector<1x16xf32>,
        %add3A_223 = arith.constant 80 : i32
        %add3A_224 = arith.addi %multiple_of3A, %add3A_223 : i32
        %add3A_225 = arith.constant 32 : i32
        %add3A_226 = arith.addi %add3A_224, %add3A_225 : i32
        %get3A_227 = arith.constant 5 : i32
        %get3A_228 = arith.index_cast %get3A_227 : i32 to index
        %get3A_229 = arith.index_cast %add3A_226 : i32 to index
        %get3A_230 = tpu.vector_load %arg4[%get3A_228, %get3A_229] {strides = array<i32>} : memref<8x8320xf32, #tpu.memory_space<vmem>>, vector<1x16xf32>,
        %get3A_231 = vector.shape_cast %get3A_230 : vector<1x16xf32> to vector<16xf32>
        %gather3A_232 = vector.shape_cast %reshape3A : vector<16x1xi32> to vector<16xi32>
        %gather3A_233 = tpu.dynamic_gather %get3A_211[%gather3A_232] in [0] : vector<16xf32>, vector<16xi32> -> vector<16xf32>
        %gather3A_234 = vector.shape_cast %reshape3A : vector<16x1xi32> to vector<16xi32>
        %gather3A_235 = tpu.dynamic_gather %get3A_231[%gather3A_234] in [0] : vector<16xf32>, vector<16xi32> -> vector<16xf32>
        %select_n3A_236 = arith.select %lt3A_33, %gather3A_233, %gather3A_235 : vector<16xi1>, vector<16xf32>
        %swap3A_237 = arith.constant 5 : i32
        %swap3A_238 = arith.index_cast %swap3A_237 : i32 to index
        %swap3A_239 = arith.index_cast %add3A_224 : i32 to index
        %swap3A_240 = tpu.vector_load %arg4[%swap3A_238, %swap3A_239] {strides = array<i32>} : memref<8x8320xf32, #tpu.memory_space<vmem>>, vector<1x16xf32>,
        %swap3A_241 = vector.shape_cast %swap3A_240 : vector<1x16xf32> to vector<16xf32>
        %swap3A_242 = vector.shape_cast %select_n3A_236 : vector<16xf32> to vector<1x16xf32>
        tpu.vector_store %arg4[%swap3A_238, %swap3A_239], %swap3A_242 {strides = array<i32>} : memref<8x8320xf32, #tpu.memory_space<vmem>>, vector<1x16xf32>,
        %add3A_243 = arith.constant 96 : i32
        %add3A_244 = arith.addi %multiple_of3A, %add3A_243 : i32
        %add3A_245 = arith.constant 32 : i32
        %add3A_246 = arith.addi %add3A_244, %add3A_245 : i32
        %get3A_247 = arith.constant 5 : i32
        %get3A_248 = arith.index_cast %get3A_247 : i32 to index
        %get3A_249 = arith.index_cast %add3A_246 : i32 to index
        %get3A_250 = tpu.vector_load %arg4[%get3A_248, %get3A_249] {strides = array<i32>} : memref<8x8320xf32, #tpu.memory_space<vmem>>, vector<1x16xf32>,
        %get3A_251 = vector.shape_cast %get3A_250 : vector<1x16xf32> to vector<16xf32>
        %gather3A_252 = vector.shape_cast %reshape3A : vector<16x1xi32> to vector<16xi32>
        %gather3A_253 = tpu.dynamic_gather %get3A_231[%gather3A_252] in [0] : vector<16xf32>, vector<16xi32> -> vector<16xf32>
        %gather3A_254 = vector.shape_cast %reshape3A : vector<16x1xi32> to vector<16xi32>
        %gather3A_255 = tpu.dynamic_gather %get3A_251[%gather3A_254] in [0] : vector<16xf32>, vector<16xi32> -> vector<16xf32>
        %select_n3A_256 = arith.select %lt3A_33, %gather3A_253, %gather3A_255 : vector<16xi1>, vector<16xf32>
        %swap3A_257 = arith.constant 5 : i32
        %swap3A_258 = arith.index_cast %swap3A_257 : i32 to index
        %swap3A_259 = arith.index_cast %add3A_244 : i32 to index
        %swap3A_260 = tpu.vector_load %arg4[%swap3A_258, %swap3A_259] {strides = array<i32>} : memref<8x8320xf32, #tpu.memory_space<vmem>>, vector<1x16xf32>,
        %swap3A_261 = vector.shape_cast %swap3A_260 : vector<1x16xf32> to vector<16xf32>
        %swap3A_262 = vector.shape_cast %select_n3A_256 : vector<16xf32> to vector<1x16xf32>
        tpu.vector_store %arg4[%swap3A_258, %swap3A_259], %swap3A_262 {strides = array<i32>} : memref<8x8320xf32, #tpu.memory_space<vmem>>, vector<1x16xf32>,
        %add3A_263 = arith.constant 112 : i32
        %add3A_264 = arith.addi %multiple_of3A, %add3A_263 : i32
        %add3A_265 = arith.constant 32 : i32
        %add3A_266 = arith.addi %add3A_264, %add3A_265 : i32
        %get3A_267 = arith.constant 5 : i32
        %get3A_268 = arith.index_cast %get3A_267 : i32 to index
        %get3A_269 = arith.index_cast %add3A_266 : i32 to index
        %get3A_270 = tpu.vector_load %arg4[%get3A_268, %get3A_269] {strides = array<i32>} : memref<8x8320xf32, #tpu.memory_space<vmem>>, vector<1x16xf32>,
        %get3A_271 = vector.shape_cast %get3A_270 : vector<1x16xf32> to vector<16xf32>
        %gather3A_272 = vector.shape_cast %reshape3A : vector<16x1xi32> to vector<16xi32>
        %gather3A_273 = tpu.dynamic_gather %get3A_251[%gather3A_272] in [0] : vector<16xf32>, vector<16xi32> -> vector<16xf32>
        %gather3A_274 = vector.shape_cast %reshape3A : vector<16x1xi32> to vector<16xi32>
        %gather3A_275 = tpu.dynamic_gather %get3A_271[%gather3A_274] in [0] : vector<16xf32>, vector<16xi32> -> vector<16xf32>
        %select_n3A_276 = arith.select %lt3A_33, %gather3A_273, %gather3A_275 : vector<16xi1>, vector<16xf32>
        %swap3A_277 = arith.constant 5 : i32
        %swap3A_278 = arith.index_cast %swap3A_277 : i32 to index
        %swap3A_279 = arith.index_cast %add3A_264 : i32 to index
        %swap3A_280 = tpu.vector_load %arg4[%swap3A_278, %swap3A_279] {strides = array<i32>} : memref<8x8320xf32, #tpu.memory_space<vmem>>, vector<1x16xf32>,
        %swap3A_281 = vector.shape_cast %swap3A_280 : vector<1x16xf32> to vector<16xf32>
        %swap3A_282 = vector.shape_cast %select_n3A_276 : vector<16xf32> to vector<1x16xf32>
        tpu.vector_store %arg4[%swap3A_278, %swap3A_279], %swap3A_282 {strides = array<i32>} : memref<8x8320xf32, #tpu.memory_space<vmem>>, vector<1x16xf32>,
        scf.yield %get3A_271 : vector<16xf32>
      }
      %scan3A_98 = arith.constant 64 : i32
      %get3A_99 = arith.constant 6 : i32
      %get3A_100 = arith.index_cast %get3A_99 : i32 to index
      %get3A_101 = arith.constant 16 : index
      %get3A_102 = tpu.vector_load %arg4[%get3A_100, %get3A_101] {strides = array<i32>} : memref<8x8320xf32, #tpu.memory_space<vmem>>, vector<1x16xf32>,
      %get3A_103 = vector.shape_cast %get3A_102 : vector<1x16xf32> to vector<16xf32>
      %scan3A_104 = arith.constant 0 : i32
      %scan3A_105 = arith.constant 64 : i32
      %scan3A_106 = arith.addi %scan3A_104, %scan3A_105 : i32
      %scan3A_107 = arith.constant 1 : i32
      %scan3A_108 = scf.for %scan3A_121 = %scan3A_104 to %scan3A_106 step %scan3A_107 iter_args(%scan3A_122 = %get3A_103) -> (vector<16xf32>)  : i32 {
        %mul3A_123 = arith.constant 128 : i32
        %mul3A_124 = arith.muli %scan3A_121, %mul3A_123 : i32
        %multiple_of3A = tpu.assume_multiple %mul3A_124, 128 : i32
        %add3A_125 = arith.constant 0 : i32
        %add3A_126 = arith.addi %multiple_of3A, %add3A_125 : i32
        %add3A_127 = arith.constant 32 : i32
        %add3A_128 = arith.addi %add3A_126, %add3A_127 : i32
        %get3A_129 = arith.constant 6 : i32
        %get3A_130 = arith.index_cast %get3A_129 : i32 to index
        %get3A_131 = arith.index_cast %add3A_128 : i32 to index
        %get3A_132 = tpu.vector_load %arg4[%get3A_130, %get3A_131] {strides = array<i32>} : memref<8x8320xf32, #tpu.memory_space<vmem>>, vector<1x16xf32>,
        %get3A_133 = vector.shape_cast %get3A_132 : vector<1x16xf32> to vector<16xf32>
        %gather3A = vector.shape_cast %reshape3A : vector<16x1xi32> to vector<16xi32>
        %gather3A_134 = tpu.dynamic_gather %scan3A_122[%gather3A] in [0] : vector<16xf32>, vector<16xi32> -> vector<16xf32>
        %gather3A_135 = vector.shape_cast %reshape3A : vector<16x1xi32> to vector<16xi32>
        %gather3A_136 = tpu.dynamic_gather %get3A_133[%gather3A_135] in [0] : vector<16xf32>, vector<16xi32> -> vector<16xf32>
        %select_n3A_137 = arith.select %lt3A_33, %gather3A_134, %gather3A_136 : vector<16xi1>, vector<16xf32>
        %swap3A = arith.constant 6 : i32
        %swap3A_138 = arith.index_cast %swap3A : i32 to index
        %swap3A_139 = arith.index_cast %add3A_126 : i32 to index
        %swap3A_140 = tpu.vector_load %arg4[%swap3A_138, %swap3A_139] {strides = array<i32>} : memref<8x8320xf32, #tpu.memory_space<vmem>>, vector<1x16xf32>,
        %swap3A_141 = vector.shape_cast %swap3A_140 : vector<1x16xf32> to vector<16xf32>
        %swap3A_142 = vector.shape_cast %select_n3A_137 : vector<16xf32> to vector<1x16xf32>
        tpu.vector_store %arg4[%swap3A_138, %swap3A_139], %swap3A_142 {strides = array<i32>} : memref<8x8320xf32, #tpu.memory_space<vmem>>, vector<1x16xf32>,
        %add3A_143 = arith.constant 16 : i32
        %add3A_144 = arith.addi %multiple_of3A, %add3A_143 : i32
        %add3A_145 = arith.constant 32 : i32
        %add3A_146 = arith.addi %add3A_144, %add3A_145 : i32
        %get3A_147 = arith.constant 6 : i32
        %get3A_148 = arith.index_cast %get3A_147 : i32 to index
        %get3A_149 = arith.index_cast %add3A_146 : i32 to index
        %get3A_150 = tpu.vector_load %arg4[%get3A_148, %get3A_149] {strides = array<i32>} : memref<8x8320xf32, #tpu.memory_space<vmem>>, vector<1x16xf32>,
        %get3A_151 = vector.shape_cast %get3A_150 : vector<1x16xf32> to vector<16xf32>
        %gather3A_152 = vector.shape_cast %reshape3A : vector<16x1xi32> to vector<16xi32>
        %gather3A_153 = tpu.dynamic_gather %get3A_133[%gather3A_152] in [0] : vector<16xf32>, vector<16xi32> -> vector<16xf32>
        %gather3A_154 = vector.shape_cast %reshape3A : vector<16x1xi32> to vector<16xi32>
        %gather3A_155 = tpu.dynamic_gather %get3A_151[%gather3A_154] in [0] : vector<16xf32>, vector<16xi32> -> vector<16xf32>
        %select_n3A_156 = arith.select %lt3A_33, %gather3A_153, %gather3A_155 : vector<16xi1>, vector<16xf32>
        %swap3A_157 = arith.constant 6 : i32
        %swap3A_158 = arith.index_cast %swap3A_157 : i32 to index
        %swap3A_159 = arith.index_cast %add3A_144 : i32 to index
        %swap3A_160 = tpu.vector_load %arg4[%swap3A_158, %swap3A_159] {strides = array<i32>} : memref<8x8320xf32, #tpu.memory_space<vmem>>, vector<1x16xf32>,
        %swap3A_161 = vector.shape_cast %swap3A_160 : vector<1x16xf32> to vector<16xf32>
        %swap3A_162 = vector.shape_cast %select_n3A_156 : vector<16xf32> to vector<1x16xf32>
        tpu.vector_store %arg4[%swap3A_158, %swap3A_159], %swap3A_162 {strides = array<i32>} : memref<8x8320xf32, #tpu.memory_space<vmem>>, vector<1x16xf32>,
        %add3A_163 = arith.constant 32 : i32
        %add3A_164 = arith.addi %multiple_of3A, %add3A_163 : i32
        %add3A_165 = arith.constant 32 : i32
        %add3A_166 = arith.addi %add3A_164, %add3A_165 : i32
        %get3A_167 = arith.constant 6 : i32
        %get3A_168 = arith.index_cast %get3A_167 : i32 to index
        %get3A_169 = arith.index_cast %add3A_166 : i32 to index
        %get3A_170 = tpu.vector_load %arg4[%get3A_168, %get3A_169] {strides = array<i32>} : memref<8x8320xf32, #tpu.memory_space<vmem>>, vector<1x16xf32>,
        %get3A_171 = vector.shape_cast %get3A_170 : vector<1x16xf32> to vector<16xf32>
        %gather3A_172 = vector.shape_cast %reshape3A : vector<16x1xi32> to vector<16xi32>
        %gather3A_173 = tpu.dynamic_gather %get3A_151[%gather3A_172] in [0] : vector<16xf32>, vector<16xi32> -> vector<16xf32>
        %gather3A_174 = vector.shape_cast %reshape3A : vector<16x1xi32> to vector<16xi32>
        %gather3A_175 = tpu.dynamic_gather %get3A_171[%gather3A_174] in [0] : vector<16xf32>, vector<16xi32> -> vector<16xf32>
        %select_n3A_176 = arith.select %lt3A_33, %gather3A_173, %gather3A_175 : vector<16xi1>, vector<16xf32>
        %swap3A_177 = arith.constant 6 : i32
        %swap3A_178 = arith.index_cast %swap3A_177 : i32 to index
        %swap3A_179 = arith.index_cast %add3A_164 : i32 to index
        %swap3A_180 = tpu.vector_load %arg4[%swap3A_178, %swap3A_179] {strides = array<i32>} : memref<8x8320xf32, #tpu.memory_space<vmem>>, vector<1x16xf32>,
        %swap3A_181 = vector.shape_cast %swap3A_180 : vector<1x16xf32> to vector<16xf32>
        %swap3A_182 = vector.shape_cast %select_n3A_176 : vector<16xf32> to vector<1x16xf32>
        tpu.vector_store %arg4[%swap3A_178, %swap3A_179], %swap3A_182 {strides = array<i32>} : memref<8x8320xf32, #tpu.memory_space<vmem>>, vector<1x16xf32>,
        %add3A_183 = arith.constant 48 : i32
        %add3A_184 = arith.addi %multiple_of3A, %add3A_183 : i32
        %add3A_185 = arith.constant 32 : i32
        %add3A_186 = arith.addi %add3A_184, %add3A_185 : i32
        %get3A_187 = arith.constant 6 : i32
        %get3A_188 = arith.index_cast %get3A_187 : i32 to index
        %get3A_189 = arith.index_cast %add3A_186 : i32 to index
        %get3A_190 = tpu.vector_load %arg4[%get3A_188, %get3A_189] {strides = array<i32>} : memref<8x8320xf32, #tpu.memory_space<vmem>>, vector<1x16xf32>,
        %get3A_191 = vector.shape_cast %get3A_190 : vector<1x16xf32> to vector<16xf32>
        %gather3A_192 = vector.shape_cast %reshape3A : vector<16x1xi32> to vector<16xi32>
        %gather3A_193 = tpu.dynamic_gather %get3A_171[%gather3A_192] in [0] : vector<16xf32>, vector<16xi32> -> vector<16xf32>
        %gather3A_194 = vector.shape_cast %reshape3A : vector<16x1xi32> to vector<16xi32>
        %gather3A_195 = tpu.dynamic_gather %get3A_191[%gather3A_194] in [0] : vector<16xf32>, vector<16xi32> -> vector<16xf32>
        %select_n3A_196 = arith.select %lt3A_33, %gather3A_193, %gather3A_195 : vector<16xi1>, vector<16xf32>
        %swap3A_197 = arith.constant 6 : i32
        %swap3A_198 = arith.index_cast %swap3A_197 : i32 to index
        %swap3A_199 = arith.index_cast %add3A_184 : i32 to index
        %swap3A_200 = tpu.vector_load %arg4[%swap3A_198, %swap3A_199] {strides = array<i32>} : memref<8x8320xf32, #tpu.memory_space<vmem>>, vector<1x16xf32>,
        %swap3A_201 = vector.shape_cast %swap3A_200 : vector<1x16xf32> to vector<16xf32>
        %swap3A_202 = vector.shape_cast %select_n3A_196 : vector<16xf32> to vector<1x16xf32>
        tpu.vector_store %arg4[%swap3A_198, %swap3A_199], %swap3A_202 {strides = array<i32>} : memref<8x8320xf32, #tpu.memory_space<vmem>>, vector<1x16xf32>,
        %add3A_203 = arith.constant 64 : i32
        %add3A_204 = arith.addi %multiple_of3A, %add3A_203 : i32
        %add3A_205 = arith.constant 32 : i32
        %add3A_206 = arith.addi %add3A_204, %add3A_205 : i32
        %get3A_207 = arith.constant 6 : i32
        %get3A_208 = arith.index_cast %get3A_207 : i32 to index
        %get3A_209 = arith.index_cast %add3A_206 : i32 to index
        %get3A_210 = tpu.vector_load %arg4[%get3A_208, %get3A_209] {strides = array<i32>} : memref<8x8320xf32, #tpu.memory_space<vmem>>, vector<1x16xf32>,
        %get3A_211 = vector.shape_cast %get3A_210 : vector<1x16xf32> to vector<16xf32>
        %gather3A_212 = vector.shape_cast %reshape3A : vector<16x1xi32> to vector<16xi32>
        %gather3A_213 = tpu.dynamic_gather %get3A_191[%gather3A_212] in [0] : vector<16xf32>, vector<16xi32> -> vector<16xf32>
        %gather3A_214 = vector.shape_cast %reshape3A : vector<16x1xi32> to vector<16xi32>
        %gather3A_215 = tpu.dynamic_gather %get3A_211[%gather3A_214] in [0] : vector<16xf32>, vector<16xi32> -> vector<16xf32>
        %select_n3A_216 = arith.select %lt3A_33, %gather3A_213, %gather3A_215 : vector<16xi1>, vector<16xf32>
        %swap3A_217 = arith.constant 6 : i32
        %swap3A_218 = arith.index_cast %swap3A_217 : i32 to index
        %swap3A_219 = arith.index_cast %add3A_204 : i32 to index
        %swap3A_220 = tpu.vector_load %arg4[%swap3A_218, %swap3A_219] {strides = array<i32>} : memref<8x8320xf32, #tpu.memory_space<vmem>>, vector<1x16xf32>,
        %swap3A_221 = vector.shape_cast %swap3A_220 : vector<1x16xf32> to vector<16xf32>
        %swap3A_222 = vector.shape_cast %select_n3A_216 : vector<16xf32> to vector<1x16xf32>
        tpu.vector_store %arg4[%swap3A_218, %swap3A_219], %swap3A_222 {strides = array<i32>} : memref<8x8320xf32, #tpu.memory_space<vmem>>, vector<1x16xf32>,
        %add3A_223 = arith.constant 80 : i32
        %add3A_224 = arith.addi %multiple_of3A, %add3A_223 : i32
        %add3A_225 = arith.constant 32 : i32
        %add3A_226 = arith.addi %add3A_224, %add3A_225 : i32
        %get3A_227 = arith.constant 6 : i32
        %get3A_228 = arith.index_cast %get3A_227 : i32 to index
        %get3A_229 = arith.index_cast %add3A_226 : i32 to index
        %get3A_230 = tpu.vector_load %arg4[%get3A_228, %get3A_229] {strides = array<i32>} : memref<8x8320xf32, #tpu.memory_space<vmem>>, vector<1x16xf32>,
        %get3A_231 = vector.shape_cast %get3A_230 : vector<1x16xf32> to vector<16xf32>
        %gather3A_232 = vector.shape_cast %reshape3A : vector<16x1xi32> to vector<16xi32>
        %gather3A_233 = tpu.dynamic_gather %get3A_211[%gather3A_232] in [0] : vector<16xf32>, vector<16xi32> -> vector<16xf32>
        %gather3A_234 = vector.shape_cast %reshape3A : vector<16x1xi32> to vector<16xi32>
        %gather3A_235 = tpu.dynamic_gather %get3A_231[%gather3A_234] in [0] : vector<16xf32>, vector<16xi32> -> vector<16xf32>
        %select_n3A_236 = arith.select %lt3A_33, %gather3A_233, %gather3A_235 : vector<16xi1>, vector<16xf32>
        %swap3A_237 = arith.constant 6 : i32
        %swap3A_238 = arith.index_cast %swap3A_237 : i32 to index
        %swap3A_239 = arith.index_cast %add3A_224 : i32 to index
        %swap3A_240 = tpu.vector_load %arg4[%swap3A_238, %swap3A_239] {strides = array<i32>} : memref<8x8320xf32, #tpu.memory_space<vmem>>, vector<1x16xf32>,
        %swap3A_241 = vector.shape_cast %swap3A_240 : vector<1x16xf32> to vector<16xf32>
        %swap3A_242 = vector.shape_cast %select_n3A_236 : vector<16xf32> to vector<1x16xf32>
        tpu.vector_store %arg4[%swap3A_238, %swap3A_239], %swap3A_242 {strides = array<i32>} : memref<8x8320xf32, #tpu.memory_space<vmem>>, vector<1x16xf32>,
        %add3A_243 = arith.constant 96 : i32
        %add3A_244 = arith.addi %multiple_of3A, %add3A_243 : i32
        %add3A_245 = arith.constant 32 : i32
        %add3A_246 = arith.addi %add3A_244, %add3A_245 : i32
        %get3A_247 = arith.constant 6 : i32
        %get3A_248 = arith.index_cast %get3A_247 : i32 to index
        %get3A_249 = arith.index_cast %add3A_246 : i32 to index
        %get3A_250 = tpu.vector_load %arg4[%get3A_248, %get3A_249] {strides = array<i32>} : memref<8x8320xf32, #tpu.memory_space<vmem>>, vector<1x16xf32>,
        %get3A_251 = vector.shape_cast %get3A_250 : vector<1x16xf32> to vector<16xf32>
        %gather3A_252 = vector.shape_cast %reshape3A : vector<16x1xi32> to vector<16xi32>
        %gather3A_253 = tpu.dynamic_gather %get3A_231[%gather3A_252] in [0] : vector<16xf32>, vector<16xi32> -> vector<16xf32>
        %gather3A_254 = vector.shape_cast %reshape3A : vector<16x1xi32> to vector<16xi32>
        %gather3A_255 = tpu.dynamic_gather %get3A_251[%gather3A_254] in [0] : vector<16xf32>, vector<16xi32> -> vector<16xf32>
        %select_n3A_256 = arith.select %lt3A_33, %gather3A_253, %gather3A_255 : vector<16xi1>, vector<16xf32>
        %swap3A_257 = arith.constant 6 : i32
        %swap3A_258 = arith.index_cast %swap3A_257 : i32 to index
        %swap3A_259 = arith.index_cast %add3A_244 : i32 to index
        %swap3A_260 = tpu.vector_load %arg4[%swap3A_258, %swap3A_259] {strides = array<i32>} : memref<8x8320xf32, #tpu.memory_space<vmem>>, vector<1x16xf32>,
        %swap3A_261 = vector.shape_cast %swap3A_260 : vector<1x16xf32> to vector<16xf32>
        %swap3A_262 = vector.shape_cast %select_n3A_256 : vector<16xf32> to vector<1x16xf32>
        tpu.vector_store %arg4[%swap3A_258, %swap3A_259], %swap3A_262 {strides = array<i32>} : memref<8x8320xf32, #tpu.memory_space<vmem>>, vector<1x16xf32>,
        %add3A_263 = arith.constant 112 : i32
        %add3A_264 = arith.addi %multiple_of3A, %add3A_263 : i32
        %add3A_265 = arith.constant 32 : i32
        %add3A_266 = arith.addi %add3A_264, %add3A_265 : i32
        %get3A_267 = arith.constant 6 : i32
        %get3A_268 = arith.index_cast %get3A_267 : i32 to index
        %get3A_269 = arith.index_cast %add3A_266 : i32 to index
        %get3A_270 = tpu.vector_load %arg4[%get3A_268, %get3A_269] {strides = array<i32>} : memref<8x8320xf32, #tpu.memory_space<vmem>>, vector<1x16xf32>,
        %get3A_271 = vector.shape_cast %get3A_270 : vector<1x16xf32> to vector<16xf32>
        %gather3A_272 = vector.shape_cast %reshape3A : vector<16x1xi32> to vector<16xi32>
        %gather3A_273 = tpu.dynamic_gather %get3A_251[%gather3A_272] in [0] : vector<16xf32>, vector<16xi32> -> vector<16xf32>
        %gather3A_274 = vector.shape_cast %reshape3A : vector<16x1xi32> to vector<16xi32>
        %gather3A_275 = tpu.dynamic_gather %get3A_271[%gather3A_274] in [0] : vector<16xf32>, vector<16xi32> -> vector<16xf32>
        %select_n3A_276 = arith.select %lt3A_33, %gather3A_273, %gather3A_275 : vector<16xi1>, vector<16xf32>
        %swap3A_277 = arith.constant 6 : i32
        %swap3A_278 = arith.index_cast %swap3A_277 : i32 to index
        %swap3A_279 = arith.index_cast %add3A_264 : i32 to index
        %swap3A_280 = tpu.vector_load %arg4[%swap3A_278, %swap3A_279] {strides = array<i32>} : memref<8x8320xf32, #tpu.memory_space<vmem>>, vector<1x16xf32>,
        %swap3A_281 = vector.shape_cast %swap3A_280 : vector<1x16xf32> to vector<16xf32>
        %swap3A_282 = vector.shape_cast %select_n3A_276 : vector<16xf32> to vector<1x16xf32>
        tpu.vector_store %arg4[%swap3A_278, %swap3A_279], %swap3A_282 {strides = array<i32>} : memref<8x8320xf32, #tpu.memory_space<vmem>>, vector<1x16xf32>,
        scf.yield %get3A_271 : vector<16xf32>
      }
      %scan3A_109 = arith.constant 64 : i32
      %get3A_110 = arith.constant 7 : i32
      %get3A_111 = arith.index_cast %get3A_110 : i32 to index
      %get3A_112 = arith.constant 16 : index
      %get3A_113 = tpu.vector_load %arg4[%get3A_111, %get3A_112] {strides = array<i32>} : memref<8x8320xf32, #tpu.memory_space<vmem>>, vector<1x16xf32>,
      %get3A_114 = vector.shape_cast %get3A_113 : vector<1x16xf32> to vector<16xf32>
      %scan3A_115 = arith.constant 0 : i32
      %scan3A_116 = arith.constant 64 : i32
      %scan3A_117 = arith.addi %scan3A_115, %scan3A_116 : i32
      %scan3A_118 = arith.constant 1 : i32
      %scan3A_119 = scf.for %scan3A_121 = %scan3A_115 to %scan3A_117 step %scan3A_118 iter_args(%scan3A_122 = %get3A_114) -> (vector<16xf32>)  : i32 {
        %mul3A_123 = arith.constant 128 : i32
        %mul3A_124 = arith.muli %scan3A_121, %mul3A_123 : i32
        %multiple_of3A = tpu.assume_multiple %mul3A_124, 128 : i32
        %add3A_125 = arith.constant 0 : i32
        %add3A_126 = arith.addi %multiple_of3A, %add3A_125 : i32
        %add3A_127 = arith.constant 32 : i32
        %add3A_128 = arith.addi %add3A_126, %add3A_127 : i32
        %get3A_129 = arith.constant 7 : i32
        %get3A_130 = arith.index_cast %get3A_129 : i32 to index
        %get3A_131 = arith.index_cast %add3A_128 : i32 to index
        %get3A_132 = tpu.vector_load %arg4[%get3A_130, %get3A_131] {strides = array<i32>} : memref<8x8320xf32, #tpu.memory_space<vmem>>, vector<1x16xf32>,
        %get3A_133 = vector.shape_cast %get3A_132 : vector<1x16xf32> to vector<16xf32>
        %gather3A = vector.shape_cast %reshape3A : vector<16x1xi32> to vector<16xi32>
        %gather3A_134 = tpu.dynamic_gather %scan3A_122[%gather3A] in [0] : vector<16xf32>, vector<16xi32> -> vector<16xf32>
        %gather3A_135 = vector.shape_cast %reshape3A : vector<16x1xi32> to vector<16xi32>
        %gather3A_136 = tpu.dynamic_gather %get3A_133[%gather3A_135] in [0] : vector<16xf32>, vector<16xi32> -> vector<16xf32>
        %select_n3A_137 = arith.select %lt3A_33, %gather3A_134, %gather3A_136 : vector<16xi1>, vector<16xf32>
        %swap3A = arith.constant 7 : i32
        %swap3A_138 = arith.index_cast %swap3A : i32 to index
        %swap3A_139 = arith.index_cast %add3A_126 : i32 to index
        %swap3A_140 = tpu.vector_load %arg4[%swap3A_138, %swap3A_139] {strides = array<i32>} : memref<8x8320xf32, #tpu.memory_space<vmem>>, vector<1x16xf32>,
        %swap3A_141 = vector.shape_cast %swap3A_140 : vector<1x16xf32> to vector<16xf32>
        %swap3A_142 = vector.shape_cast %select_n3A_137 : vector<16xf32> to vector<1x16xf32>
        tpu.vector_store %arg4[%swap3A_138, %swap3A_139], %swap3A_142 {strides = array<i32>} : memref<8x8320xf32, #tpu.memory_space<vmem>>, vector<1x16xf32>,
        %add3A_143 = arith.constant 16 : i32
        %add3A_144 = arith.addi %multiple_of3A, %add3A_143 : i32
        %add3A_145 = arith.constant 32 : i32
        %add3A_146 = arith.addi %add3A_144, %add3A_145 : i32
        %get3A_147 = arith.constant 7 : i32
        %get3A_148 = arith.index_cast %get3A_147 : i32 to index
        %get3A_149 = arith.index_cast %add3A_146 : i32 to index
        %get3A_150 = tpu.vector_load %arg4[%get3A_148, %get3A_149] {strides = array<i32>} : memref<8x8320xf32, #tpu.memory_space<vmem>>, vector<1x16xf32>,
        %get3A_151 = vector.shape_cast %get3A_150 : vector<1x16xf32> to vector<16xf32>
        %gather3A_152 = vector.shape_cast %reshape3A : vector<16x1xi32> to vector<16xi32>
        %gather3A_153 = tpu.dynamic_gather %get3A_133[%gather3A_152] in [0] : vector<16xf32>, vector<16xi32> -> vector<16xf32>
        %gather3A_154 = vector.shape_cast %reshape3A : vector<16x1xi32> to vector<16xi32>
        %gather3A_155 = tpu.dynamic_gather %get3A_151[%gather3A_154] in [0] : vector<16xf32>, vector<16xi32> -> vector<16xf32>
        %select_n3A_156 = arith.select %lt3A_33, %gather3A_153, %gather3A_155 : vector<16xi1>, vector<16xf32>
        %swap3A_157 = arith.constant 7 : i32
        %swap3A_158 = arith.index_cast %swap3A_157 : i32 to index
        %swap3A_159 = arith.index_cast %add3A_144 : i32 to index
        %swap3A_160 = tpu.vector_load %arg4[%swap3A_158, %swap3A_159] {strides = array<i32>} : memref<8x8320xf32, #tpu.memory_space<vmem>>, vector<1x16xf32>,
        %swap3A_161 = vector.shape_cast %swap3A_160 : vector<1x16xf32> to vector<16xf32>
        %swap3A_162 = vector.shape_cast %select_n3A_156 : vector<16xf32> to vector<1x16xf32>
        tpu.vector_store %arg4[%swap3A_158, %swap3A_159], %swap3A_162 {strides = array<i32>} : memref<8x8320xf32, #tpu.memory_space<vmem>>, vector<1x16xf32>,
        %add3A_163 = arith.constant 32 : i32
        %add3A_164 = arith.addi %multiple_of3A, %add3A_163 : i32
        %add3A_165 = arith.constant 32 : i32
        %add3A_166 = arith.addi %add3A_164, %add3A_165 : i32
        %get3A_167 = arith.constant 7 : i32
        %get3A_168 = arith.index_cast %get3A_167 : i32 to index
        %get3A_169 = arith.index_cast %add3A_166 : i32 to index
        %get3A_170 = tpu.vector_load %arg4[%get3A_168, %get3A_169] {strides = array<i32>} : memref<8x8320xf32, #tpu.memory_space<vmem>>, vector<1x16xf32>,
        %get3A_171 = vector.shape_cast %get3A_170 : vector<1x16xf32> to vector<16xf32>
        %gather3A_172 = vector.shape_cast %reshape3A : vector<16x1xi32> to vector<16xi32>
        %gather3A_173 = tpu.dynamic_gather %get3A_151[%gather3A_172] in [0] : vector<16xf32>, vector<16xi32> -> vector<16xf32>
        %gather3A_174 = vector.shape_cast %reshape3A : vector<16x1xi32> to vector<16xi32>
        %gather3A_175 = tpu.dynamic_gather %get3A_171[%gather3A_174] in [0] : vector<16xf32>, vector<16xi32> -> vector<16xf32>
        %select_n3A_176 = arith.select %lt3A_33, %gather3A_173, %gather3A_175 : vector<16xi1>, vector<16xf32>
        %swap3A_177 = arith.constant 7 : i32
        %swap3A_178 = arith.index_cast %swap3A_177 : i32 to index
        %swap3A_179 = arith.index_cast %add3A_164 : i32 to index
        %swap3A_180 = tpu.vector_load %arg4[%swap3A_178, %swap3A_179] {strides = array<i32>} : memref<8x8320xf32, #tpu.memory_space<vmem>>, vector<1x16xf32>,
        %swap3A_181 = vector.shape_cast %swap3A_180 : vector<1x16xf32> to vector<16xf32>
        %swap3A_182 = vector.shape_cast %select_n3A_176 : vector<16xf32> to vector<1x16xf32>
        tpu.vector_store %arg4[%swap3A_178, %swap3A_179], %swap3A_182 {strides = array<i32>} : memref<8x8320xf32, #tpu.memory_space<vmem>>, vector<1x16xf32>,
        %add3A_183 = arith.constant 48 : i32
        %add3A_184 = arith.addi %multiple_of3A, %add3A_183 : i32
        %add3A_185 = arith.constant 32 : i32
        %add3A_186 = arith.addi %add3A_184, %add3A_185 : i32
        %get3A_187 = arith.constant 7 : i32
        %get3A_188 = arith.index_cast %get3A_187 : i32 to index
        %get3A_189 = arith.index_cast %add3A_186 : i32 to index
        %get3A_190 = tpu.vector_load %arg4[%get3A_188, %get3A_189] {strides = array<i32>} : memref<8x8320xf32, #tpu.memory_space<vmem>>, vector<1x16xf32>,
        %get3A_191 = vector.shape_cast %get3A_190 : vector<1x16xf32> to vector<16xf32>
        %gather3A_192 = vector.shape_cast %reshape3A : vector<16x1xi32> to vector<16xi32>
        %gather3A_193 = tpu.dynamic_gather %get3A_171[%gather3A_192] in [0] : vector<16xf32>, vector<16xi32> -> vector<16xf32>
        %gather3A_194 = vector.shape_cast %reshape3A : vector<16x1xi32> to vector<16xi32>
        %gather3A_195 = tpu.dynamic_gather %get3A_191[%gather3A_194] in [0] : vector<16xf32>, vector<16xi32> -> vector<16xf32>
        %select_n3A_196 = arith.select %lt3A_33, %gather3A_193, %gather3A_195 : vector<16xi1>, vector<16xf32>
        %swap3A_197 = arith.constant 7 : i32
        %swap3A_198 = arith.index_cast %swap3A_197 : i32 to index
        %swap3A_199 = arith.index_cast %add3A_184 : i32 to index
        %swap3A_200 = tpu.vector_load %arg4[%swap3A_198, %swap3A_199] {strides = array<i32>} : memref<8x8320xf32, #tpu.memory_space<vmem>>, vector<1x16xf32>,
        %swap3A_201 = vector.shape_cast %swap3A_200 : vector<1x16xf32> to vector<16xf32>
        %swap3A_202 = vector.shape_cast %select_n3A_196 : vector<16xf32> to vector<1x16xf32>
        tpu.vector_store %arg4[%swap3A_198, %swap3A_199], %swap3A_202 {strides = array<i32>} : memref<8x8320xf32, #tpu.memory_space<vmem>>, vector<1x16xf32>,
        %add3A_203 = arith.constant 64 : i32
        %add3A_204 = arith.addi %multiple_of3A, %add3A_203 : i32
        %add3A_205 = arith.constant 32 : i32
        %add3A_206 = arith.addi %add3A_204, %add3A_205 : i32
        %get3A_207 = arith.constant 7 : i32
        %get3A_208 = arith.index_cast %get3A_207 : i32 to index
        %get3A_209 = arith.index_cast %add3A_206 : i32 to index
        %get3A_210 = tpu.vector_load %arg4[%get3A_208, %get3A_209] {strides = array<i32>} : memref<8x8320xf32, #tpu.memory_space<vmem>>, vector<1x16xf32>,
        %get3A_211 = vector.shape_cast %get3A_210 : vector<1x16xf32> to vector<16xf32>
        %gather3A_212 = vector.shape_cast %reshape3A : vector<16x1xi32> to vector<16xi32>
        %gather3A_213 = tpu.dynamic_gather %get3A_191[%gather3A_212] in [0] : vector<16xf32>, vector<16xi32> -> vector<16xf32>
        %gather3A_214 = vector.shape_cast %reshape3A : vector<16x1xi32> to vector<16xi32>
        %gather3A_215 = tpu.dynamic_gather %get3A_211[%gather3A_214] in [0] : vector<16xf32>, vector<16xi32> -> vector<16xf32>
        %select_n3A_216 = arith.select %lt3A_33, %gather3A_213, %gather3A_215 : vector<16xi1>, vector<16xf32>
        %swap3A_217 = arith.constant 7 : i32
        %swap3A_218 = arith.index_cast %swap3A_217 : i32 to index
        %swap3A_219 = arith.index_cast %add3A_204 : i32 to index
        %swap3A_220 = tpu.vector_load %arg4[%swap3A_218, %swap3A_219] {strides = array<i32>} : memref<8x8320xf32, #tpu.memory_space<vmem>>, vector<1x16xf32>,
        %swap3A_221 = vector.shape_cast %swap3A_220 : vector<1x16xf32> to vector<16xf32>
        %swap3A_222 = vector.shape_cast %select_n3A_216 : vector<16xf32> to vector<1x16xf32>
        tpu.vector_store %arg4[%swap3A_218, %swap3A_219], %swap3A_222 {strides = array<i32>} : memref<8x8320xf32, #tpu.memory_space<vmem>>, vector<1x16xf32>,
        %add3A_223 = arith.constant 80 : i32
        %add3A_224 = arith.addi %multiple_of3A, %add3A_223 : i32
        %add3A_225 = arith.constant 32 : i32
        %add3A_226 = arith.addi %add3A_224, %add3A_225 : i32
        %get3A_227 = arith.constant 7 : i32
        %get3A_228 = arith.index_cast %get3A_227 : i32 to index
        %get3A_229 = arith.index_cast %add3A_226 : i32 to index
        %get3A_230 = tpu.vector_load %arg4[%get3A_228, %get3A_229] {strides = array<i32>} : memref<8x8320xf32, #tpu.memory_space<vmem>>, vector<1x16xf32>,
        %get3A_231 = vector.shape_cast %get3A_230 : vector<1x16xf32> to vector<16xf32>
        %gather3A_232 = vector.shape_cast %reshape3A : vector<16x1xi32> to vector<16xi32>
        %gather3A_233 = tpu.dynamic_gather %get3A_211[%gather3A_232] in [0] : vector<16xf32>, vector<16xi32> -> vector<16xf32>
        %gather3A_234 = vector.shape_cast %reshape3A : vector<16x1xi32> to vector<16xi32>
        %gather3A_235 = tpu.dynamic_gather %get3A_231[%gather3A_234] in [0] : vector<16xf32>, vector<16xi32> -> vector<16xf32>
        %select_n3A_236 = arith.select %lt3A_33, %gather3A_233, %gather3A_235 : vector<16xi1>, vector<16xf32>
        %swap3A_237 = arith.constant 7 : i32
        %swap3A_238 = arith.index_cast %swap3A_237 : i32 to index
        %swap3A_239 = arith.index_cast %add3A_224 : i32 to index
        %swap3A_240 = tpu.vector_load %arg4[%swap3A_238, %swap3A_239] {strides = array<i32>} : memref<8x8320xf32, #tpu.memory_space<vmem>>, vector<1x16xf32>,
        %swap3A_241 = vector.shape_cast %swap3A_240 : vector<1x16xf32> to vector<16xf32>
        %swap3A_242 = vector.shape_cast %select_n3A_236 : vector<16xf32> to vector<1x16xf32>
        tpu.vector_store %arg4[%swap3A_238, %swap3A_239], %swap3A_242 {strides = array<i32>} : memref<8x8320xf32, #tpu.memory_space<vmem>>, vector<1x16xf32>,
        %add3A_243 = arith.constant 96 : i32
        %add3A_244 = arith.addi %multiple_of3A, %add3A_243 : i32
        %add3A_245 = arith.constant 32 : i32
        %add3A_246 = arith.addi %add3A_244, %add3A_245 : i32
        %get3A_247 = arith.constant 7 : i32
        %get3A_248 = arith.index_cast %get3A_247 : i32 to index
        %get3A_249 = arith.index_cast %add3A_246 : i32 to index
        %get3A_250 = tpu.vector_load %arg4[%get3A_248, %get3A_249] {strides = array<i32>} : memref<8x8320xf32, #tpu.memory_space<vmem>>, vector<1x16xf32>,
        %get3A_251 = vector.shape_cast %get3A_250 : vector<1x16xf32> to vector<16xf32>
        %gather3A_252 = vector.shape_cast %reshape3A : vector<16x1xi32> to vector<16xi32>
        %gather3A_253 = tpu.dynamic_gather %get3A_231[%gather3A_252] in [0] : vector<16xf32>, vector<16xi32> -> vector<16xf32>
        %gather3A_254 = vector.shape_cast %reshape3A : vector<16x1xi32> to vector<16xi32>
        %gather3A_255 = tpu.dynamic_gather %get3A_251[%gather3A_254] in [0] : vector<16xf32>, vector<16xi32> -> vector<16xf32>
        %select_n3A_256 = arith.select %lt3A_33, %gather3A_253, %gather3A_255 : vector<16xi1>, vector<16xf32>
        %swap3A_257 = arith.constant 7 : i32
        %swap3A_258 = arith.index_cast %swap3A_257 : i32 to index
        %swap3A_259 = arith.index_cast %add3A_244 : i32 to index
        %swap3A_260 = tpu.vector_load %arg4[%swap3A_258, %swap3A_259] {strides = array<i32>} : memref<8x8320xf32, #tpu.memory_space<vmem>>, vector<1x16xf32>,
        %swap3A_261 = vector.shape_cast %swap3A_260 : vector<1x16xf32> to vector<16xf32>
        %swap3A_262 = vector.shape_cast %select_n3A_256 : vector<16xf32> to vector<1x16xf32>
        tpu.vector_store %arg4[%swap3A_258, %swap3A_259], %swap3A_262 {strides = array<i32>} : memref<8x8320xf32, #tpu.memory_space<vmem>>, vector<1x16xf32>,
        %add3A_263 = arith.constant 112 : i32
        %add3A_264 = arith.addi %multiple_of3A, %add3A_263 : i32
        %add3A_265 = arith.constant 32 : i32
        %add3A_266 = arith.addi %add3A_264, %add3A_265 : i32
        %get3A_267 = arith.constant 7 : i32
        %get3A_268 = arith.index_cast %get3A_267 : i32 to index
        %get3A_269 = arith.index_cast %add3A_266 : i32 to index
        %get3A_270 = tpu.vector_load %arg4[%get3A_268, %get3A_269] {strides = array<i32>} : memref<8x8320xf32, #tpu.memory_space<vmem>>, vector<1x16xf32>,
        %get3A_271 = vector.shape_cast %get3A_270 : vector<1x16xf32> to vector<16xf32>
        %gather3A_272 = vector.shape_cast %reshape3A : vector<16x1xi32> to vector<16xi32>
        %gather3A_273 = tpu.dynamic_gather %get3A_251[%gather3A_272] in [0] : vector<16xf32>, vector<16xi32> -> vector<16xf32>
        %gather3A_274 = vector.shape_cast %reshape3A : vector<16x1xi32> to vector<16xi32>
        %gather3A_275 = tpu.dynamic_gather %get3A_271[%gather3A_274] in [0] : vector<16xf32>, vector<16xi32> -> vector<16xf32>
        %select_n3A_276 = arith.select %lt3A_33, %gather3A_273, %gather3A_275 : vector<16xi1>, vector<16xf32>
        %swap3A_277 = arith.constant 7 : i32
        %swap3A_278 = arith.index_cast %swap3A_277 : i32 to index
        %swap3A_279 = arith.index_cast %add3A_264 : i32 to index
        %swap3A_280 = tpu.vector_load %arg4[%swap3A_278, %swap3A_279] {strides = array<i32>} : memref<8x8320xf32, #tpu.memory_space<vmem>>, vector<1x16xf32>,
        %swap3A_281 = vector.shape_cast %swap3A_280 : vector<1x16xf32> to vector<16xf32>
        %swap3A_282 = vector.shape_cast %select_n3A_276 : vector<16xf32> to vector<1x16xf32>
        tpu.vector_store %arg4[%swap3A_278, %swap3A_279], %swap3A_282 {strides = array<i32>} : memref<8x8320xf32, #tpu.memory_space<vmem>>, vector<1x16xf32>,
        scf.yield %get3A_271 : vector<16xf32>
      }
      %scan3A_120 = arith.constant 64 : i32
      "tpu.region"() ({
        %run_scoped3A = tpu.sem_alloc : memref<!tpu.dma_semaphore, #tpu.memory_space<semaphore_mem>>
        %dma_start3A = arith.constant 0 : i32
        %dma_start3A_121 = arith.constant 0 : i32
        %dma_start3A_122 = tpu.memref_slice %arg4[%dma_start3A, %dma_start3A_121] : memref<8x8320xf32, #tpu.memory_space<vmem>> -> memref<8x8192xf32, #tpu.memory_space<vmem>>
        %dma_start3A_123 = arith.constant 0 : i32
        %dma_start3A_124 = tpu.memref_slice %arg3[%add3A_11, %dma_start3A_123] : memref<2048x8192xf32, #tpu.memory_space<hbm>> -> memref<8x8192xf32, #tpu.memory_space<hbm>>
        %dma_start3A_125 = arith.constant 0 : i32
        %dma_start3A_126 = tpu.memref_slice %arg3[%add3A_11, %dma_start3A_125] : memref<2048x8192xf32, #tpu.memory_space<hbm>> -> memref<8x8192xf32, #tpu.memory_space<hbm>>
        %dma_start3A_127 = arith.constant 0 : i32
        %dma_start3A_128 = arith.constant 0 : i32
        %dma_start3A_129 = tpu.memref_slice %arg4[%dma_start3A_127, %dma_start3A_128] : memref<8x8320xf32, #tpu.memory_space<vmem>> -> memref<8x8192xf32, #tpu.memory_space<vmem>>
        tpu.enqueue_dma source(%dma_start3A_129 : memref<8x8192xf32, #tpu.memory_space<vmem>>) target(%dma_start3A_126 : memref<8x8192xf32, #tpu.memory_space<hbm>>) target_semaphore(%run_scoped3A : memref<!tpu.dma_semaphore, #tpu.memory_space<semaphore_mem>>)
        %dma_wait3A = arith.constant 0 : i32
        %dma_wait3A_130 = arith.constant 0 : i32
        %dma_wait3A_131 = tpu.memref_slice %arg4[%dma_wait3A, %dma_wait3A_130] : memref<8x8320xf32, #tpu.memory_space<vmem>> -> memref<8x8192xf32, #tpu.memory_space<vmem>>
        %dma_wait3A_132 = arith.constant 0 : i32
        %dma_wait3A_133 = tpu.memref_slice %arg3[%add3A_11, %dma_wait3A_132] : memref<2048x8192xf32, #tpu.memory_space<hbm>> -> memref<8x8192xf32, #tpu.memory_space<hbm>>
        %dma_wait3A_134 = arith.constant 0 : i32
        %dma_wait3A_135 = tpu.memref_slice %arg3[%add3A_11, %dma_wait3A_134] : memref<2048x8192xf32, #tpu.memory_space<hbm>> -> memref<8x8192xf32, #tpu.memory_space<hbm>>
        %dma_wait3A_136 = arith.constant 0 : i32
        %dma_wait3A_137 = arith.constant 0 : i32
        %dma_wait3A_138 = tpu.memref_slice %arg4[%dma_wait3A_136, %dma_wait3A_137] : memref<8x8320xf32, #tpu.memory_space<vmem>> -> memref<8x8192xf32, #tpu.memory_space<vmem>>
        tpu.wait_dma2 semaphore(%run_scoped3A : memref<!tpu.dma_semaphore, #tpu.memory_space<semaphore_mem>>) src(%dma_wait3A_138 : memref<8x8192xf32, #tpu.memory_space<vmem>>) dst(%dma_wait3A_135 : memref<8x8192xf32, #tpu.memory_space<hbm>>)
        tpu.yield
      }) : () -> ()
    }
    %scan3A_7 = arith.constant 8 : i32
    return
  }
}

</mosaic_0001>

<sc_bundles>
// kernel: kernel.3.cloned.1.call-start
scs
__scs_entry_jumppad:
0x0: {  	(pc) =	sbr.rel $0x88, $3  }
0x1: {  	(tag) =	ssettag $0x0;
	lr =	simm.s32 $0x1  }
0x2: {  	[smem:$0x3FA0] =	sst lr;
	_ =	strace $0xD0000000  }
0x3: {  	_ = 	snop  }
0x4: {  	_ = 	snop  }
0x5: {  	_ = 	snop  }
0x6: {  	_ = 	snop  }
0x7: {  	_ = 	snop  }
__scs_overlays_trampoline_lowered:
0x8: {  	[smem:$0x3FAF] =	sst s0  }
0x9: {  	[smem:$0x3FB0] =	sst s1  }
0xa: {  	[smem:$0x3FB1] =	sst s2  }
0xb: {  	[smem:$0x3FB2] =	sst s3  }
0xc: {  	[smem:$0x3FB3] =	sst s4  }
0xd: {  	[smem:$0x3FB4] =	sst s5  }
0xe: {  	[smem:$0x3FB5] =	sst s6  }
0xf: {  	[smem:$0x3FB6] =	sst s7  }
0x10: {  	[smem:$0x3FB7] =	sst s8  }
0x11: {  	[smem:$0x3FB8] =	sst s9;
	s0 =	simm.s32 @!p0 $0x0  }
0x12: {  	s1 =	sld [smem:$0x3F9E];
	s0 =	simm.s32 @p0 $0x1  }
0x13: {  	[smem:$0x3FB9] =	sst s0;
	s0 =	simm.s32 @!p1 $0x0  }
0x14: {  	s2 =	sld [smem:$0x3F9D];
	s0 =	simm.s32 @p1 $0x1  }
0x15: {  	[smem:$0x3FBA] =	sst s0;
	s0 =	simm.s32 @!p2 $0x0  }
0x16: {  	s3 =	sld [smem:$0x3FDB];
	s0 =	simm.s32 @p2 $0x1  }
0x17: {  	s4 =	simm.s32 $0x1BF5;
	[smem:$0x3FBC] =	sst s0  }
0x18: {  	s0 =	sld [smem:$0x3F9F];
	_ =	swait.ge [sflag:s4], $0x0  }
0x19: {  	s7 =	sld [smem:$0x3FA0]  }
0x1a: {  	s8 =	sadd.s32 $0xFFFFE003, lr  }
0x1b: {  	s9 =	sadd.s32 $0xFFFFFEF7, lr;
	s5 =	simm.s32 $0xFFFFFFFF;
	p2 =	slt.u32 s8, $0xFFFFF086  }
0x1c: {  	p1 =	slt.u32 s9, $0xF7A;
	s5 =	simm.s32 @!p2 $0x0  }
0x1d: {  	s5 =	simm.s32 @p1 $0x1;
	p0 =	seq.s32 s7, s2  }
0x1e: {  	s7 =	smul.u32 @!p0 $0xF7A, s2;
	p2 =	seq.s32 @!p0 s5, $0x0  }
0x1f: {  	s9 =	smul.u32 $0xF7A, s1;
	s8 =	simm.s32 @!p0 $0x1BF5;
	p2 =	por !p2, p0  }
0x20: {  	[sflag:s8] =	ssyncset.s32 @!p0 $0xFFFFF086;
	s6 =	sadd.s32 @!p0 s3, s7;
	s7 =	simm.s32 @!p0 $0x108  }
0x21: {  	s3 =	sadd.s32 s3, s9;
	s6 =	sadd.s32 @!p0 $0x88, s6;
	s7 =	simm.s32 @p2 $0x1082  }
0x22: {  	[simem:s7], [sflag:s8] =	dma.local @!p0 [hbm:s6], $0xF7A  }
0x23: {  	s9 =	sor.u32 $0xD0000000, s2;
	s6 =	simm.s32 $0x108;
	_ =	swait.ge @!p0 [sflag:s8], $0x0  }
0x24: {  	s3 =	sadd.s32 $0x88, s3;
	s6 =	simm.s32 @!p1 $0x1082;
	[sflag:s4] =	ssyncset.s32 $0xFFFFF086  }
0x25: {  	[simem:s6], [sflag:s4] =	dma.local [hbm:s3], $0xF7A  }
0x26: {  	[smem:$0x3FA0] =	sst s1;
	(tag) =	ssettag s2;
	_ =	strace s9  }
0x27: {  	s1 =	sld [smem:$0x3FB0]  }
0x28: {  	s2 =	sld [smem:$0x3FB1]  }
0x29: {  	s4 =	sld [smem:$0x3FB3]  }
0x2a: {  	p0 =	seq.s32 s5, $0x0;
	s5 =	sld [smem:$0x3FB4]  }
0x2b: {  	s6 =	sld [smem:$0x3FB5]  }
0x2c: {  	s7 =	sld [smem:$0x3FB6]  }
0x2d: {  	s3 =	simm.s32 $0x108;
	s8 =	sld [smem:$0x3FB7]  }
0x2e: {  	s3 =	simm.s32 @!p0 $0x1082;
	s9 =	sld [smem:$0x3FB8]  }
0x2f: {  	lr =	sadd.s32 s0, s3;
	s0 =	sld [smem:$0x3FAF]  }
0x30: {  	s3 =	sld [smem:$0x3FB2]  }
0x31: {  	[smem:$0x3FBB] =	sst s10  }
0x32: {  	s10 =	sld [smem:$0x3FB9];
	_ =	sdelay $0x3  }
0x33: {  	p0 =	seq.s32 s10, $0x1;
	s10 =	sld [smem:$0x3FBB];
	_ =	sdelay $0x3  }
0x34: {  	[smem:$0x3FBB] =	sst s10  }
0x35: {  	s10 =	sld [smem:$0x3FBA];
	_ =	sdelay $0x3  }
0x36: {  	p1 =	seq.s32 s10, $0x1;
	s10 =	sld [smem:$0x3FBB];
	_ =	sdelay $0x3  }
0x37: {  	[smem:$0x3FBB] =	sst s10  }
0x38: {  	s10 =	sld [smem:$0x3FBC]  }
0x39: {  	_ = 	snop;
	(pc) =	sbr.ind lr, $3  }
0x3a: {  	_ = 	snop  }
0x3b: {  	_ = 	snop  }
0x3c: {  	p2 =	seq.s32 s10, $0x1;
	s10 =	sld [smem:$0x3FBB]  }
0x3d: {  	_ =	shalt  }
0x3e: {  	_ =	shalt  }
0x3f: {  	_ =	shalt  }
0x40: {  	_ =	shalt  }
0x41: {  	_ =	shalt  }
0x42: {  	_ =	shalt  }
0x43: {  	_ =	shalt  }
0x44: {  	_ =	shalt  }
0x45: {  	_ =	shalt  }
0x46: {  	_ =	shalt  }
0x47: {  	_ =	shalt  }
0x48: {  	_ =	shalt  }
0x49: {  	_ =	shalt  }
0x4a: {  	_ =	shalt  }
0x4b: {  	_ =	shalt  }
0x4c: {  	_ =	shalt  }
0x4d: {  	_ =	shalt  }
0x4e: {  	_ =	shalt  }
0x4f: {  	_ =	shalt  }
0x50: {  	_ =	shalt  }
0x51: {  	_ =	shalt  }
0x52: {  	_ =	shalt  }
0x53: {  	_ =	shalt  }
0x54: {  	_ =	shalt  }
0x55: {  	_ =	shalt  }
0x56: {  	_ =	shalt  }
0x57: {  	_ =	shalt  }
0x58: {  	_ =	shalt  }
0x59: {  	_ =	shalt  }
0x5a: {  	_ =	shalt  }
0x5b: {  	_ =	shalt  }
0x5c: {  	_ =	shalt  }
0x5d: {  	_ =	shalt  }
0x5e: {  	_ =	shalt  }
0x5f: {  	_ =	shalt  }
0x60: {  	_ =	shalt  }
0x61: {  	_ =	shalt  }
0x62: {  	_ =	shalt  }
0x63: {  	_ =	shalt  }
0x64: {  	_ =	shalt  }
0x65: {  	_ =	shalt  }
0x66: {  	_ =	shalt  }
0x67: {  	_ =	shalt  }
0x68: {  	_ =	shalt  }
0x69: {  	_ =	shalt  }
0x6a: {  	_ =	shalt  }
0x6b: {  	_ =	shalt  }
0x6c: {  	_ =	shalt  }
0x6d: {  	_ =	shalt  }
0x6e: {  	_ =	shalt  }
0x6f: {  	_ =	shalt  }
0x70: {  	_ =	shalt  }
0x71: {  	_ =	shalt  }
0x72: {  	_ =	shalt  }
0x73: {  	_ =	shalt  }
0x74: {  	_ =	shalt  }
0x75: {  	_ =	shalt  }
0x76: {  	_ =	shalt  }
0x77: {  	_ =	shalt  }
0x78: {  	_ =	shalt  }
0x79: {  	_ =	shalt  }
0x7a: {  	_ =	shalt  }
0x7b: {  	_ =	shalt  }
0x7c: {  	_ =	shalt  }
0x7d: {  	_ =	shalt  }
0x7e: {  	_ =	shalt  }
0x7f: {  	_ =	shalt  }
0x80: {  	_ =	shalt  }
0x81: {  	_ =	shalt  }
0x82: {  	_ =	shalt  }
0x83: {  	_ =	shalt  }
0x84: {  	_ =	shalt  }
0x85: {  	_ =	shalt  }
0x86: {  	_ =	shalt  }
0x87: {  	_ =	shalt  }
.Lfunc_end0:
.L_simem_size_0:
called_computation_lowered:
.L_overlay_start_0:
0x88: {  	s2 =	sld [smem:$0x3FD9]  }
0x89: {  	s3 =	sld [smem:$0x3FFE];
	_ =	sdelay $0x1  }
0x8a: {  	s1 =	srdreg.scid  }
0x8b: {  	s0 =	sand.u32 $0x1, s1  }
0x8c: {  	s18 =	sshll.u32 s0, $0xA;
	s2 =	sadd.s32 s3, s2  }
0x8d: {  	s2 =	sadd.s32 s2, s18  }
0x8e: {  	[smem:$0x3FC7] =	sst s2  }
0x8f: {  	_ = 	snop  }
0x90: {  	s2 =	sld [smem:$0x3FC9]  }
0x91: {  	s19 =	sld [smem:$0x3FD0];
	(tm) =	ssettm $0x1  }
0x92: {  	s4 =	sld [smem:$0x3FFB];
	_ =	sdelay $0x3  }
0x93: {  	_ =	strace s4  }
0x94: {  	s4 =	sld [smem:$0x3FFC];
	_ =	sdelay $0x3  }
0x95: {  	_ =	strace s4  }
0x96: {  	s4 =	sld [smem:$0x3FFD];
	_ =	sdelay $0x3  }
0x97: {  	_ =	strace s4  }
0x98: {  	_ =	strace $0x8FFFFFFF  }
0x99: {  	s20 =	sld [smem:$0x3FDB];
	_ =	sdelay $0x1  }
0x9a: {  	s5 =	simm.s32 $_scs_section_size  }
0x9b: {  	s6 =	simm.s32 $_size__tile_overlayer_lowered;
	s7 =	simm.s32 $_tile_overlayer_lowered  }
0x9c: {  	s23 =	simm.s32 $0x1BFF;
	s22 =	sshll.u32 s7, $0x1;
	s4 =	sadd.s32 s5, s20  }
0x9d: {  	s8 =	simm.s32 $0x0;
	s21 =	sshll.u32 s6, $0x1;
	s6 =	sadd.s32 s22, s4  }
0x9e: {  	[timem:s8], [sflag:s23] =	dma.local [hbm:s6], s21  }
0x9f: {  	_ =	swait.ge [sflag:s23], s21  }
0xa0: {  	s5 =	ssub.s32 $0x0, s21;
	[sflag:s23] =	ssyncset.done $0x0  }
0xa1: {  	[sflag:s23] =	ssyncadd.s32 s5;
	_ =	sdelay $0x1  }
0xa2: {  	s24 =	simm.s32 $0x1B8B  }
0xa3: {  	_ =	swait.ge [sflag:s24], $0x1  }
0xa4: {  	[sflag:s24] =	ssyncset.done $0x0  }
0xa5: {  	s25 =	simm.s32 $0x1B8E;
	[sflag:s24] =	ssyncadd.s32 $0xFFFFFFFF  }
0xa6: {  	s26 =	simm.s32 $execute0_lowered;
	[smem:$0x3FD2] =	sst s25  }
0xa7: {  	s5 =	sshll.u32 s26, $0x1;
	_ =	strace $0x80000046;
	[dreg:$0x1] =	wrdreg $0xFFFFFFFF  }
0xa8: {  	s28 =	simm.s32 $_size_execute0_lowered;
	s4 =	sadd.s32 s4, s5;
	[dreg:$0x0] =	wrdreg $0x0  }
0xa9: {  	s5 =	sshll.u32 s28, $0x1;
	[dreg:$0x2] =	wrdreg s4  }
0xaa: {  	[dreg:$0x3] =	wrdreg s5  }
0xab: {  	[dreg:$0x4] =	wrdreg $0xC0  }
0xac: {  	_ =	task [dreg:s8], $0x5FFFF  }
0xad: {  	[dreg:$0x1] =	wrdreg $0xFFFFFFFF  }
0xae: {  	[dreg:$0x0] =	wrdreg $0x60  }
0xaf: {  	[dreg:$0x2] =	wrdreg s2  }
0xb0: {  	[dreg:$0x3] =	wrdreg s19  }
0xb1: {  	[dreg:$0x4] =	wrdreg $0x9  }
0xb2: {  	_ =	task.clear_ibuf [dreg:s8], $0x5FFFF;
	_ =	strace $0x90000046  }
0xb3: {  	s29 =	simm.s32 $0x9;
	_ =	strace $0x80000048  }
0xb4: {  	_ =	swait.ge [sflag:s29], $0x1  }
0xb5: {  	[sflag:s29] =	ssyncadd.s32 $0xFFFFFFFF  }
0xb6: {  	_ =	strace $0x90000048  }
0xb7: {  	_ =	sfence  }
0xb8: {  	s30 =	sld [smem:$0x0];
	_ =	sdelay $0x2  }
0xb9: {  	s31 =	sshll.u32 s1, $0xD;
	s1 =	sshrl.u32 s1, $0x2  }
0xba: {  	s3 =	sand.u32 $0x4000, s31;
	s1 =	sadd.s32 s1, s30  }
0xbb: {  	s0 =	sor.u32 s3, s0;
	s1 =	sshll.u32 s1, $0x11  }
0xbc: {  	s0 =	sor.u32 s1, s0  }
0xbd: {  	s0 =	sadd.s32 $0x8F2B, s0  }
0xbe: {  	[sflag:s0] =	ssyncadd.remote.s32 $0x1  }
0xbf: {  	_ =	sfence.sel $0xFFFF  }
0xc0: {  	[dreg:$0x0] =	wrdreg $0xFFFFFFFF;
	(pc) =	sbr.abs _section_cstart, $3  }
0xc1: {  	[dreg:$0x1] =	wrdreg $0xFFFFFFFF  }
0xc2: {  	_ =	task.clear_ibuf [dreg:s8], $0x2FFFF;
	_ =	strace $0x9FFFFFFF  }
0xc3: {  	(tm) =	ssettm $0x7FFFFFFF  }
tec
execute0_lowered:
.L_overlay_start_1:
0x0: {  	(tag) =	ssettag $0x1  }
0x1: {  	s1 =	rddreg [dreg:$0x0];
	v0 =	vimm.s32 $0xFEDCBA98  }
0x2: {  	s2 =	rddreg [dreg:$0x1];
	v1 =	vimm.s32 $0x76543210;
	v0 =	vunpack.c.l.s4.s8 v0  }
0x3: {  	s4 =	srdreg.scid;
	s0 =	rddreg [dreg:$0x2];
	s3 =	simm.s32 $0x0;
	v1 =	vunpack.c.l.s4.s8 v1  }
0x4: {  	s8 =	simm.s32 $0x1;
	s9 =	simm.s32 $0x2000;
	s5 =	sand.u32 $0x1, s4;
	v0 =	vunpack.c.0.s8.s32 v0  }
0x5: {  	s10 =	simm.s32 $0x0;
	[smem:$0x7FF] =	sst s3;
	s6 =	ssub.s32 $0x2, s5;
	v1 =	vunpack.c.0.s8.s32 v1  }
0x6: {  	s4 =	stileid.u32;
	_ =	strace $0x80000047;
	s7 =	sshrl.u32 s6, $0x1;
	v0 =	vand.u32 $0xF, v0  }
0x7: {  	s31 =	sshll.u32 s4, $0x4;
	s5 =	sshll.u32 s5, $0x3;
	s7 =	ssub.s32 s6, s7;
	v0 =	vcombine.low v0, v1  }
0x8: {  	vm0 =	vmmov $0xff;
	s5 =	sor.u32 s5, s31;
	s6 =	sadd.s32 $0x1C00, s1;
	s7 =	smax.u32 s7, $0x1  }
.LBB2_1:
0x9: {  	s11 =	simm.s32 $0x0  }
.LBB2_2:
0xa: {  	s12 =	sadd.s32 s5, s11  }
0xb: {  	s12 =	sshll.u32 s12, $0xD  }
0xc: {  	s14 =	simm.s32 $0x0;
	s13 =	sadd.s32 s12, s6  }
0xd: {  	[tilespmem:s14], [sflag:$0x1] =	stream.linear.gather [hbm4b:s13+s14], $0x2000, $0x38;
	[tilespmem:$0x10400] =	vst v63  }
0xe: {  	_ =	swait.ge [sflag:s8], $0x2000  }
0xf: {  	[sflag:s8] =	ssyncset.done $0x0  }
0x10: {  	s31 =	sadd.s32 s1, s12;
	[sflag:s8] =	ssyncadd.s32 $0xFFFFE000  }
0x11: {  	[tilespmem:s9], [sflag:$0x1] =	stream.linear.gather [hbm4b:s31+s14], $0xE400, $0x38;
	[tilespmem:$0x10400] =	vst v63  }
0x12: {  	_ =	swait.ge [sflag:s8], $0xE400  }
0x13: {  	[sflag:s8] =	ssyncset.done $0x0  }
0x14: {  	[sflag:s8] =	ssyncadd.s32 $0xFFFF1C00  }
0x15: {  	s14 =	simm.s32 $0x0;
	v7 =	vld [tilespmem:$0x10]  }
0x16: {  	v2 =	vld [tilespmem:s14+$0x400]  }
0x17: {  	v1 =	vld [tilespmem:s14+$0x410]  }
0x18: {  	v3 =	vld [tilespmem:s14+$0x70]  }
0x19: {  	v4 =	vld [tilespmem:s14+$0x60]  }
0x1a: {  	v5 =	vld [tilespmem:s14+$0x50]  }
0x1b: {  	v6 =	vld [tilespmem:s14+$0x40]  }
0x1c: {  	v8 =	vld [tilespmem:s14+$0x30];
	v9 =	vperm.xlane v2, v0;
	v2 =	vperm.xlane v1, v0  }
0x1d: {  	s13 =	simm.s32 $0x400;
	v10 =	vld [tilespmem:s14+$0x20];
	v12 =	vperm.xlane v3, v0  }
0x1e: {  	v11 =	vld [tilespmem:s13+$0x400];
	v3 =	vsel vm0, v9, v2  }
0x1f: {  	v4 =	vperm.xlane v4, v0;
	v2 =	vld [tilespmem:s13+$0x410];
	v9 =	vsel vm0, v12, v9;
	[tilespmem:s14+$0x70] =	vst v3  }
0x20: {  	v3 =	vld [tilespmem:s13+$0x70];
	[tilespmem:s14+$0x60] =	vst v9;
	v9 =	vperm.xlane v5, v0  }
0x21: {  	v63 =	vperm.xlane v6, v0;
	v12 =	vsel vm0, v4, v12  }
0x22: {  	v13 =	vperm.xlane v8, v0;
	v5 =	vld [tilespmem:s13+$0x60];
	[tilespmem:s14+$0x50] =	vst v12;
	v6 =	vsel vm0, v9, v4  }
0x23: {  	v14 =	vperm.xlane v7, v0;
	v10 =	vperm.xlane v10, v0;
	v4 =	vld [tilespmem:s13+$0x50];
	v8 =	vsel vm0, v63, v9;
	[tilespmem:s14+$0x40] =	vst v6  }
0x24: {  	v12 =	vsel vm0, v13, v63;
	v9 =	vperm.xlane v2, v0;
	v6 =	vld [tilespmem:s13+$0x40];
	[tilespmem:s14+$0x30] =	vst v8  }
0x25: {  	s15 =	simm.s32 $0x2000;
	v8 =	vperm.xlane v11, v0;
	v11 =	vsel vm0, v14, v10;
	v10 =	vsel vm0, v10, v13;
	v7 =	vld [tilespmem:s13+$0x30];
	[tilespmem:s14+$0x20] =	vst v12  }
.LBB2_3:
0x26: {  	s16 =	sshra.s32 s15, $0x2;
	p0 =	sne.s32 s15, $0x3F000;
	s15 =	sadd.s32 $0x1000, s15;
	v12 =	vld [tilespmem:s13+$0x20];
	v13 =	vperm.xlane v3, v0;
	[tilespmem:s14+$0x0] =	vst v11;
	v11 =	vmov v1;
	v1 =	vmov v2  }
0x27: {  	v14 =	vld [tilespmem:s16+$0x400];
	v15 =	vperm.xlane v5, v0;
	v3 =	vsel vm0, v8, v9;
	[tilespmem:s14+$0x10] =	vst v10;
	s14 =	smov.u32 s13;
	s13 =	smov.u32 s16  }
0x28: {  	v2 =	vld [tilespmem:s13+$0x410];
	v9 =	vperm.xlane v4, v0;
	v4 =	vsel vm0, v13, v8;
	[tilespmem:s14+$0x70] =	vst v3  }
.Ltmp0:
0x29: {  	v3 =	vld [tilespmem:s13+$0x70];
	v10 =	vperm.xlane v6, v0;
	v6 =	vsel vm0, v15, v13;
	[tilespmem:s14+$0x60] =	vst v4;
	(pc) =	sbr.rel @p0 .LBB2_3-.Ltmp0, $4  }
0x2a: {  	v5 =	vld [tilespmem:s13+$0x60];
	v13 =	vperm.xlane v7, v0;
	v7 =	vsel vm0, v9, v15;
	[tilespmem:s14+$0x50] =	vst v6  }
0x2b: {  	v11 =	vperm.xlane v11, v0;
	v4 =	vld [tilespmem:s13+$0x50];
	v12 =	vperm.xlane v12, v0;
	v9 =	vsel vm0, v10, v9;
	[tilespmem:s14+$0x40] =	vst v7  }
0x2c: {  	v6 =	vld [tilespmem:s13+$0x40];
	v8 =	vperm.xlane v14, v0;
	v14 =	vsel vm0, v13, v10;
	[tilespmem:s14+$0x30] =	vst v9  }
0x2d: {  	v7 =	vld [tilespmem:s13+$0x30];
	v9 =	vperm.xlane v2, v0;
	v11 =	vsel vm0, v11, v12;
	v10 =	vsel vm0, v12, v13;
	[tilespmem:s14+$0x20] =	vst v14  }
0x2e: {  	v2 =	vld [tilespmem:s13+$0x20];
	v3 =	vperm.xlane v3, v0;
	[tilespmem:s14+$0x0] =	vst v11  }
0x2f: {  	[tilespmem:s14+$0x10] =	vst v10;
	v5 =	vperm.xlane v5, v0;
	v9 =	vsel vm0, v8, v9  }
0x30: {  	v4 =	vperm.xlane v4, v0;
	v8 =	vsel vm0, v3, v8;
	[tilespmem:s13+$0x70] =	vst v9  }
0x31: {  	v6 =	vperm.xlane v6, v0;
	v3 =	vsel vm0, v5, v3;
	[tilespmem:s13+$0x60] =	vst v8  }
0x32: {  	v7 =	vperm.xlane v7, v0;
	v5 =	vsel vm0, v4, v5;
	[tilespmem:s13+$0x50] =	vst v3  }
0x33: {  	v1 =	vperm.xlane v1, v0;
	v2 =	vperm.xlane v2, v0;
	v3 =	vsel vm0, v6, v4;
	[tilespmem:s13+$0x40] =	vst v5  }
0x34: {  	v4 =	vsel vm0, v7, v6;
	[tilespmem:s13+$0x30] =	vst v3  }
0x35: {  	v1 =	vsel vm0, v1, v2;
	[tilespmem:s13+$0x20] =	vst v4  }
0x36: {  	v2 =	vsel vm0, v2, v7;
	[tilespmem:s13+$0x0] =	vst v1  }
0x37: {  	[tilespmem:s13+$0x10] =	vst v2  }
0x38: {  	s14 =	simm.s32 $0x0;
	v7 =	vld [tilespmem:$0x90]  }
0x39: {  	v2 =	vld [tilespmem:s14+$0x480]  }
0x3a: {  	v1 =	vld [tilespmem:s14+$0x490]  }
0x3b: {  	v3 =	vld [tilespmem:s14+$0xF0]  }
0x3c: {  	v4 =	vld [tilespmem:s14+$0xE0]  }
0x3d: {  	v5 =	vld [tilespmem:s14+$0xD0]  }
0x3e: {  	v6 =	vld [tilespmem:s14+$0xC0]  }
0x3f: {  	v8 =	vld [tilespmem:s14+$0xB0];
	v9 =	vperm.xlane v2, v0;
	v2 =	vperm.xlane v1, v0  }
0x40: {  	s13 =	simm.s32 $0x400;
	v10 =	vld [tilespmem:s14+$0xA0];
	v12 =	vperm.xlane v3, v0  }
0x41: {  	v11 =	vld [tilespmem:s13+$0x480];
	v3 =	vsel vm0, v9, v2  }
0x42: {  	v4 =	vperm.xlane v4, v0;
	v2 =	vld [tilespmem:s13+$0x490];
	v9 =	vsel vm0, v12, v9;
	[tilespmem:s14+$0xF0] =	vst v3  }
0x43: {  	v3 =	vld [tilespmem:s13+$0xF0];
	[tilespmem:s14+$0xE0] =	vst v9;
	v9 =	vperm.xlane v5, v0  }
0x44: {  	v63 =	vperm.xlane v6, v0;
	v12 =	vsel vm0, v4, v12  }
0x45: {  	v13 =	vperm.xlane v8, v0;
	v5 =	vld [tilespmem:s13+$0xE0];
	[tilespmem:s14+$0xD0] =	vst v12;
	v6 =	vsel vm0, v9, v4  }
0x46: {  	v14 =	vperm.xlane v7, v0;
	v10 =	vperm.xlane v10, v0;
	v4 =	vld [tilespmem:s13+$0xD0];
	v8 =	vsel vm0, v63, v9;
	[tilespmem:s14+$0xC0] =	vst v6  }
0x47: {  	v12 =	vsel vm0, v13, v63;
	v9 =	vperm.xlane v2, v0;
	v6 =	vld [tilespmem:s13+$0xC0];
	[tilespmem:s14+$0xB0] =	vst v8  }
0x48: {  	s15 =	simm.s32 $0x2000;
	v8 =	vperm.xlane v11, v0;
	v11 =	vsel vm0, v14, v10;
	v10 =	vsel vm0, v10, v13;
	v7 =	vld [tilespmem:s13+$0xB0];
	[tilespmem:s14+$0xA0] =	vst v12  }
.LBB2_5:
0x49: {  	s16 =	sshra.s32 s15, $0x2;
	p0 =	sne.s32 s15, $0x3F000;
	s15 =	sadd.s32 $0x1000, s15;
	v12 =	vld [tilespmem:s13+$0xA0];
	v13 =	vperm.xlane v3, v0;
	[tilespmem:s14+$0x80] =	vst v11;
	v11 =	vmov v1;
	v1 =	vmov v2  }
0x4a: {  	v14 =	vld [tilespmem:s16+$0x480];
	v15 =	vperm.xlane v5, v0;
	v3 =	vsel vm0, v8, v9;
	[tilespmem:s14+$0x90] =	vst v10;
	s14 =	smov.u32 s13;
	s13 =	smov.u32 s16  }
0x4b: {  	v2 =	vld [tilespmem:s13+$0x490];
	v9 =	vperm.xlane v4, v0;
	v4 =	vsel vm0, v13, v8;
	[tilespmem:s14+$0xF0] =	vst v3  }
.Ltmp1:
0x4c: {  	v3 =	vld [tilespmem:s13+$0xF0];
	v10 =	vperm.xlane v6, v0;
	v6 =	vsel vm0, v15, v13;
	[tilespmem:s14+$0xE0] =	vst v4;
	(pc) =	sbr.rel @p0 .LBB2_5-.Ltmp1, $4  }
0x4d: {  	v5 =	vld [tilespmem:s13+$0xE0];
	v13 =	vperm.xlane v7, v0;
	v7 =	vsel vm0, v9, v15;
	[tilespmem:s14+$0xD0] =	vst v6  }
0x4e: {  	v11 =	vperm.xlane v11, v0;
	v4 =	vld [tilespmem:s13+$0xD0];
	v12 =	vperm.xlane v12, v0;
	v9 =	vsel vm0, v10, v9;
	[tilespmem:s14+$0xC0] =	vst v7  }
0x4f: {  	v6 =	vld [tilespmem:s13+$0xC0];
	v8 =	vperm.xlane v14, v0;
	v14 =	vsel vm0, v13, v10;
	[tilespmem:s14+$0xB0] =	vst v9  }
0x50: {  	v7 =	vld [tilespmem:s13+$0xB0];
	v9 =	vperm.xlane v2, v0;
	v11 =	vsel vm0, v11, v12;
	v10 =	vsel vm0, v12, v13;
	[tilespmem:s14+$0xA0] =	vst v14  }
0x51: {  	v2 =	vld [tilespmem:s13+$0xA0];
	v3 =	vperm.xlane v3, v0;
	[tilespmem:s14+$0x80] =	vst v11  }
0x52: {  	[tilespmem:s14+$0x90] =	vst v10;
	v5 =	vperm.xlane v5, v0;
	v9 =	vsel vm0, v8, v9  }
0x53: {  	v4 =	vperm.xlane v4, v0;
	v8 =	vsel vm0, v3, v8;
	[tilespmem:s13+$0xF0] =	vst v9  }
0x54: {  	v6 =	vperm.xlane v6, v0;
	v3 =	vsel vm0, v5, v3;
	[tilespmem:s13+$0xE0] =	vst v8  }
0x55: {  	v7 =	vperm.xlane v7, v0;
	v5 =	vsel vm0, v4, v5;
	[tilespmem:s13+$0xD0] =	vst v3  }
0x56: {  	v1 =	vperm.xlane v1, v0;
	v2 =	vperm.xlane v2, v0;
	v3 =	vsel vm0, v6, v4;
	[tilespmem:s13+$0xC0] =	vst v5  }
0x57: {  	v4 =	vsel vm0, v7, v6;
	[tilespmem:s13+$0xB0] =	vst v3  }
0x58: {  	v1 =	vsel vm0, v1, v2;
	[tilespmem:s13+$0xA0] =	vst v4  }
0x59: {  	v2 =	vsel vm0, v2, v7;
	[tilespmem:s13+$0x80] =	vst v1  }
0x5a: {  	[tilespmem:s13+$0x90] =	vst v2  }
0x5b: {  	s14 =	simm.s32 $0x0;
	v7 =	vld [tilespmem:$0x110]  }
0x5c: {  	v2 =	vld [tilespmem:s14+$0x500]  }
0x5d: {  	v1 =	vld [tilespmem:s14+$0x510]  }
0x5e: {  	v3 =	vld [tilespmem:s14+$0x170]  }
0x5f: {  	v4 =	vld [tilespmem:s14+$0x160]  }
0x60: {  	v5 =	vld [tilespmem:s14+$0x150]  }
0x61: {  	v6 =	vld [tilespmem:s14+$0x140]  }
0x62: {  	v8 =	vld [tilespmem:s14+$0x130];
	v9 =	vperm.xlane v2, v0;
	v2 =	vperm.xlane v1, v0  }
0x63: {  	s13 =	simm.s32 $0x400;
	v10 =	vld [tilespmem:s14+$0x120];
	v12 =	vperm.xlane v3, v0  }
0x64: {  	v11 =	vld [tilespmem:s13+$0x500];
	v3 =	vsel vm0, v9, v2  }
0x65: {  	v4 =	vperm.xlane v4, v0;
	v2 =	vld [tilespmem:s13+$0x510];
	v9 =	vsel vm0, v12, v9;
	[tilespmem:s14+$0x170] =	vst v3  }
0x66: {  	v3 =	vld [tilespmem:s13+$0x170];
	[tilespmem:s14+$0x160] =	vst v9;
	v9 =	vperm.xlane v5, v0  }
0x67: {  	v63 =	vperm.xlane v6, v0;
	v12 =	vsel vm0, v4, v12  }
0x68: {  	v13 =	vperm.xlane v8, v0;
	v5 =	vld [tilespmem:s13+$0x160];
	[tilespmem:s14+$0x150] =	vst v12;
	v6 =	vsel vm0, v9, v4  }
0x69: {  	v14 =	vperm.xlane v7, v0;
	v10 =	vperm.xlane v10, v0;
	v4 =	vld [tilespmem:s13+$0x150];
	v8 =	vsel vm0, v63, v9;
	[tilespmem:s14+$0x140] =	vst v6  }
0x6a: {  	v12 =	vsel vm0, v13, v63;
	v9 =	vperm.xlane v2, v0;
	v6 =	vld [tilespmem:s13+$0x140];
	[tilespmem:s14+$0x130] =	vst v8  }
0x6b: {  	s15 =	simm.s32 $0x2000;
	v8 =	vperm.xlane v11, v0;
	v11 =	vsel vm0, v14, v10;
	v10 =	vsel vm0, v10, v13;
	v7 =	vld [tilespmem:s13+$0x130];
	[tilespmem:s14+$0x120] =	vst v12  }
.LBB2_7:
0x6c: {  	s16 =	sshra.s32 s15, $0x2;
	p0 =	sne.s32 s15, $0x3F000;
	s15 =	sadd.s32 $0x1000, s15;
	v12 =	vld [tilespmem:s13+$0x120];
	v13 =	vperm.xlane v3, v0;
	[tilespmem:s14+$0x100] =	vst v11;
	v11 =	vmov v1;
	v1 =	vmov v2  }
0x6d: {  	v14 =	vld [tilespmem:s16+$0x500];
	v15 =	vperm.xlane v5, v0;
	v3 =	vsel vm0, v8, v9;
	[tilespmem:s14+$0x110] =	vst v10;
	s14 =	smov.u32 s13;
	s13 =	smov.u32 s16  }
0x6e: {  	v2 =	vld [tilespmem:s13+$0x510];
	v9 =	vperm.xlane v4, v0;
	v4 =	vsel vm0, v13, v8;
	[tilespmem:s14+$0x170] =	vst v3  }
.Ltmp2:
0x6f: {  	v3 =	vld [tilespmem:s13+$0x170];
	v10 =	vperm.xlane v6, v0;
	v6 =	vsel vm0, v15, v13;
	[tilespmem:s14+$0x160] =	vst v4;
	(pc) =	sbr.rel @p0 .LBB2_7-.Ltmp2, $4  }
0x70: {  	v5 =	vld [tilespmem:s13+$0x160];
	v13 =	vperm.xlane v7, v0;
	v7 =	vsel vm0, v9, v15;
	[tilespmem:s14+$0x150] =	vst v6  }
0x71: {  	v11 =	vperm.xlane v11, v0;
	v4 =	vld [tilespmem:s13+$0x150];
	v12 =	vperm.xlane v12, v0;
	v9 =	vsel vm0, v10, v9;
	[tilespmem:s14+$0x140] =	vst v7  }
0x72: {  	v6 =	vld [tilespmem:s13+$0x140];
	v8 =	vperm.xlane v14, v0;
	v14 =	vsel vm0, v13, v10;
	[tilespmem:s14+$0x130] =	vst v9  }
0x73: {  	v7 =	vld [tilespmem:s13+$0x130];
	v9 =	vperm.xlane v2, v0;
	v11 =	vsel vm0, v11, v12;
	v10 =	vsel vm0, v12, v13;
	[tilespmem:s14+$0x120] =	vst v14  }
0x74: {  	v2 =	vld [tilespmem:s13+$0x120];
	v3 =	vperm.xlane v3, v0;
	[tilespmem:s14+$0x100] =	vst v11  }
0x75: {  	[tilespmem:s14+$0x110] =	vst v10;
	v5 =	vperm.xlane v5, v0;
	v9 =	vsel vm0, v8, v9  }
0x76: {  	v4 =	vperm.xlane v4, v0;
	v8 =	vsel vm0, v3, v8;
	[tilespmem:s13+$0x170] =	vst v9  }
0x77: {  	v6 =	vperm.xlane v6, v0;
	v3 =	vsel vm0, v5, v3;
	[tilespmem:s13+$0x160] =	vst v8  }
0x78: {  	v7 =	vperm.xlane v7, v0;
	v5 =	vsel vm0, v4, v5;
	[tilespmem:s13+$0x150] =	vst v3  }
0x79: {  	v1 =	vperm.xlane v1, v0;
	v2 =	vperm.xlane v2, v0;
	v3 =	vsel vm0, v6, v4;
	[tilespmem:s13+$0x140] =	vst v5  }
0x7a: {  	v4 =	vsel vm0, v7, v6;
	[tilespmem:s13+$0x130] =	vst v3  }
0x7b: {  	v1 =	vsel vm0, v1, v2;
	[tilespmem:s13+$0x120] =	vst v4  }
0x7c: {  	v2 =	vsel vm0, v2, v7;
	[tilespmem:s13+$0x100] =	vst v1  }
0x7d: {  	[tilespmem:s13+$0x110] =	vst v2  }
0x7e: {  	s14 =	simm.s32 $0x0;
	v7 =	vld [tilespmem:$0x190]  }
0x7f: {  	v2 =	vld [tilespmem:s14+$0x580]  }
0x80: {  	v1 =	vld [tilespmem:s14+$0x590]  }
0x81: {  	v3 =	vld [tilespmem:s14+$0x1F0]  }
0x82: {  	v4 =	vld [tilespmem:s14+$0x1E0]  }
0x83: {  	v5 =	vld [tilespmem:s14+$0x1D0]  }
0x84: {  	v6 =	vld [tilespmem:s14+$0x1C0]  }
0x85: {  	v8 =	vld [tilespmem:s14+$0x1B0];
	v9 =	vperm.xlane v2, v0;
	v2 =	vperm.xlane v1, v0  }
0x86: {  	s13 =	simm.s32 $0x400;
	v10 =	vld [tilespmem:s14+$0x1A0];
	v12 =	vperm.xlane v3, v0  }
0x87: {  	v11 =	vld [tilespmem:s13+$0x580];
	v3 =	vsel vm0, v9, v2  }
0x88: {  	v4 =	vperm.xlane v4, v0;
	v2 =	vld [tilespmem:s13+$0x590];
	v9 =	vsel vm0, v12, v9;
	[tilespmem:s14+$0x1F0] =	vst v3  }
0x89: {  	v3 =	vld [tilespmem:s13+$0x1F0];
	[tilespmem:s14+$0x1E0] =	vst v9;
	v9 =	vperm.xlane v5, v0  }
0x8a: {  	v63 =	vperm.xlane v6, v0;
	v12 =	vsel vm0, v4, v12  }
0x8b: {  	v13 =	vperm.xlane v8, v0;
	v5 =	vld [tilespmem:s13+$0x1E0];
	[tilespmem:s14+$0x1D0] =	vst v12;
	v6 =	vsel vm0, v9, v4  }
0x8c: {  	v14 =	vperm.xlane v7, v0;
	v10 =	vperm.xlane v10, v0;
	v4 =	vld [tilespmem:s13+$0x1D0];
	v8 =	vsel vm0, v63, v9;
	[tilespmem:s14+$0x1C0] =	vst v6  }
0x8d: {  	v12 =	vsel vm0, v13, v63;
	v9 =	vperm.xlane v2, v0;
	v6 =	vld [tilespmem:s13+$0x1C0];
	[tilespmem:s14+$0x1B0] =	vst v8  }
0x8e: {  	s15 =	simm.s32 $0x2000;
	v8 =	vperm.xlane v11, v0;
	v11 =	vsel vm0, v14, v10;
	v10 =	vsel vm0, v10, v13;
	v7 =	vld [tilespmem:s13+$0x1B0];
	[tilespmem:s14+$0x1A0] =	vst v12  }
.LBB2_9:
0x8f: {  	s16 =	sshra.s32 s15, $0x2;
	p0 =	sne.s32 s15, $0x3F000;
	s15 =	sadd.s32 $0x1000, s15;
	v12 =	vld [tilespmem:s13+$0x1A0];
	v13 =	vperm.xlane v3, v0;
	[tilespmem:s14+$0x180] =	vst v11;
	v11 =	vmov v1;
	v1 =	vmov v2  }
0x90: {  	v14 =	vld [tilespmem:s16+$0x580];
	v15 =	vperm.xlane v5, v0;
	v3 =	vsel vm0, v8, v9;
	[tilespmem:s14+$0x190] =	vst v10;
	s14 =	smov.u32 s13;
	s13 =	smov.u32 s16  }
0x91: {  	v2 =	vld [tilespmem:s13+$0x590];
	v9 =	vperm.xlane v4, v0;
	v4 =	vsel vm0, v13, v8;
	[tilespmem:s14+$0x1F0] =	vst v3  }
.Ltmp3:
0x92: {  	v3 =	vld [tilespmem:s13+$0x1F0];
	v10 =	vperm.xlane v6, v0;
	v6 =	vsel vm0, v15, v13;
	[tilespmem:s14+$0x1E0] =	vst v4;
	(pc) =	sbr.rel @p0 .LBB2_9-.Ltmp3, $4  }
0x93: {  	v5 =	vld [tilespmem:s13+$0x1E0];
	v13 =	vperm.xlane v7, v0;
	v7 =	vsel vm0, v9, v15;
	[tilespmem:s14+$0x1D0] =	vst v6  }
0x94: {  	v11 =	vperm.xlane v11, v0;
	v4 =	vld [tilespmem:s13+$0x1D0];
	v12 =	vperm.xlane v12, v0;
	v9 =	vsel vm0, v10, v9;
	[tilespmem:s14+$0x1C0] =	vst v7  }
0x95: {  	v6 =	vld [tilespmem:s13+$0x1C0];
	v8 =	vperm.xlane v14, v0;
	v14 =	vsel vm0, v13, v10;
	[tilespmem:s14+$0x1B0] =	vst v9  }
0x96: {  	v7 =	vld [tilespmem:s13+$0x1B0];
	v9 =	vperm.xlane v2, v0;
	v11 =	vsel vm0, v11, v12;
	v10 =	vsel vm0, v12, v13;
	[tilespmem:s14+$0x1A0] =	vst v14  }
0x97: {  	v2 =	vld [tilespmem:s13+$0x1A0];
	v3 =	vperm.xlane v3, v0;
	[tilespmem:s14+$0x180] =	vst v11  }
0x98: {  	[tilespmem:s14+$0x190] =	vst v10;
	v5 =	vperm.xlane v5, v0;
	v9 =	vsel vm0, v8, v9  }
0x99: {  	v4 =	vperm.xlane v4, v0;
	v8 =	vsel vm0, v3, v8;
	[tilespmem:s13+$0x1F0] =	vst v9  }
0x9a: {  	v6 =	vperm.xlane v6, v0;
	v3 =	vsel vm0, v5, v3;
	[tilespmem:s13+$0x1E0] =	vst v8  }
0x9b: {  	v7 =	vperm.xlane v7, v0;
	v5 =	vsel vm0, v4, v5;
	[tilespmem:s13+$0x1D0] =	vst v3  }
0x9c: {  	v1 =	vperm.xlane v1, v0;
	v2 =	vperm.xlane v2, v0;
	v3 =	vsel vm0, v6, v4;
	[tilespmem:s13+$0x1C0] =	vst v5  }
0x9d: {  	v4 =	vsel vm0, v7, v6;
	[tilespmem:s13+$0x1B0] =	vst v3  }
0x9e: {  	v1 =	vsel vm0, v1, v2;
	[tilespmem:s13+$0x1A0] =	vst v4  }
0x9f: {  	v2 =	vsel vm0, v2, v7;
	[tilespmem:s13+$0x180] =	vst v1  }
0xa0: {  	[tilespmem:s13+$0x190] =	vst v2  }
0xa1: {  	s14 =	simm.s32 $0x0;
	v7 =	vld [tilespmem:$0x210]  }
0xa2: {  	v2 =	vld [tilespmem:s14+$0x600]  }
0xa3: {  	v1 =	vld [tilespmem:s14+$0x610]  }
0xa4: {  	v3 =	vld [tilespmem:s14+$0x270]  }
0xa5: {  	v4 =	vld [tilespmem:s14+$0x260]  }
0xa6: {  	v5 =	vld [tilespmem:s14+$0x250]  }
0xa7: {  	v6 =	vld [tilespmem:s14+$0x240]  }
0xa8: {  	v8 =	vld [tilespmem:s14+$0x230];
	v9 =	vperm.xlane v2, v0;
	v2 =	vperm.xlane v1, v0  }
0xa9: {  	s13 =	simm.s32 $0x400;
	v10 =	vld [tilespmem:s14+$0x220];
	v12 =	vperm.xlane v3, v0  }
0xaa: {  	v11 =	vld [tilespmem:s13+$0x600];
	v3 =	vsel vm0, v9, v2  }
0xab: {  	v4 =	vperm.xlane v4, v0;
	v2 =	vld [tilespmem:s13+$0x610];
	v9 =	vsel vm0, v12, v9;
	[tilespmem:s14+$0x270] =	vst v3  }
0xac: {  	v3 =	vld [tilespmem:s13+$0x270];
	[tilespmem:s14+$0x260] =	vst v9;
	v9 =	vperm.xlane v5, v0  }
0xad: {  	v63 =	vperm.xlane v6, v0;
	v12 =	vsel vm0, v4, v12  }
0xae: {  	v13 =	vperm.xlane v8, v0;
	v5 =	vld [tilespmem:s13+$0x260];
	[tilespmem:s14+$0x250] =	vst v12;
	v6 =	vsel vm0, v9, v4  }
0xaf: {  	v14 =	vperm.xlane v7, v0;
	v10 =	vperm.xlane v10, v0;
	v4 =	vld [tilespmem:s13+$0x250];
	v8 =	vsel vm0, v63, v9;
	[tilespmem:s14+$0x240] =	vst v6  }
0xb0: {  	v12 =	vsel vm0, v13, v63;
	v9 =	vperm.xlane v2, v0;
	v6 =	vld [tilespmem:s13+$0x240];
	[tilespmem:s14+$0x230] =	vst v8  }
0xb1: {  	s15 =	simm.s32 $0x2000;
	v8 =	vperm.xlane v11, v0;
	v11 =	vsel vm0, v14, v10;
	v10 =	vsel vm0, v10, v13;
	v7 =	vld [tilespmem:s13+$0x230];
	[tilespmem:s14+$0x220] =	vst v12  }
.LBB2_11:
0xb2: {  	s16 =	sshra.s32 s15, $0x2;
	p0 =	sne.s32 s15, $0x3F000;
	s15 =	sadd.s32 $0x1000, s15;
	v12 =	vld [tilespmem:s13+$0x220];
	v13 =	vperm.xlane v3, v0;
	[tilespmem:s14+$0x200] =	vst v11;
	v11 =	vmov v1;
	v1 =	vmov v2  }
0xb3: {  	v14 =	vld [tilespmem:s16+$0x600];
	v15 =	vperm.xlane v5, v0;
	v3 =	vsel vm0, v8, v9;
	[tilespmem:s14+$0x210] =	vst v10;
	s14 =	smov.u32 s13;
	s13 =	smov.u32 s16  }
0xb4: {  	v2 =	vld [tilespmem:s13+$0x610];
	v9 =	vperm.xlane v4, v0;
	v4 =	vsel vm0, v13, v8;
	[tilespmem:s14+$0x270] =	vst v3  }
.Ltmp4:
0xb5: {  	v3 =	vld [tilespmem:s13+$0x270];
	v10 =	vperm.xlane v6, v0;
	v6 =	vsel vm0, v15, v13;
	[tilespmem:s14+$0x260] =	vst v4;
	(pc) =	sbr.rel @p0 .LBB2_11-.Ltmp4, $4  }
0xb6: {  	v5 =	vld [tilespmem:s13+$0x260];
	v13 =	vperm.xlane v7, v0;
	v7 =	vsel vm0, v9, v15;
	[tilespmem:s14+$0x250] =	vst v6  }
0xb7: {  	v11 =	vperm.xlane v11, v0;
	v4 =	vld [tilespmem:s13+$0x250];
	v12 =	vperm.xlane v12, v0;
	v9 =	vsel vm0, v10, v9;
	[tilespmem:s14+$0x240] =	vst v7  }
0xb8: {  	v6 =	vld [tilespmem:s13+$0x240];
	v8 =	vperm.xlane v14, v0;
	v14 =	vsel vm0, v13, v10;
	[tilespmem:s14+$0x230] =	vst v9  }
0xb9: {  	v7 =	vld [tilespmem:s13+$0x230];
	v9 =	vperm.xlane v2, v0;
	v11 =	vsel vm0, v11, v12;
	v10 =	vsel vm0, v12, v13;
	[tilespmem:s14+$0x220] =	vst v14  }
0xba: {  	v2 =	vld [tilespmem:s13+$0x220];
	v3 =	vperm.xlane v3, v0;
	[tilespmem:s14+$0x200] =	vst v11  }
0xbb: {  	[tilespmem:s14+$0x210] =	vst v10;
	v5 =	vperm.xlane v5, v0;
	v9 =	vsel vm0, v8, v9  }
0xbc: {  	v4 =	vperm.xlane v4, v0;
	v8 =	vsel vm0, v3, v8;
	[tilespmem:s13+$0x270] =	vst v9  }
0xbd: {  	v6 =	vperm.xlane v6, v0;
	v3 =	vsel vm0, v5, v3;
	[tilespmem:s13+$0x260] =	vst v8  }
0xbe: {  	v7 =	vperm.xlane v7, v0;
	v5 =	vsel vm0, v4, v5;
	[tilespmem:s13+$0x250] =	vst v3  }
0xbf: {  	v1 =	vperm.xlane v1, v0;
	v2 =	vperm.xlane v2, v0;
	v3 =	vsel vm0, v6, v4;
	[tilespmem:s13+$0x240] =	vst v5  }
0xc0: {  	v4 =	vsel vm0, v7, v6;
	[tilespmem:s13+$0x230] =	vst v3  }
0xc1: {  	v1 =	vsel vm0, v1, v2;
	[tilespmem:s13+$0x220] =	vst v4  }
0xc2: {  	v2 =	vsel vm0, v2, v7;
	[tilespmem:s13+$0x200] =	vst v1  }
0xc3: {  	[tilespmem:s13+$0x210] =	vst v2  }
0xc4: {  	s14 =	simm.s32 $0x0;
	v7 =	vld [tilespmem:$0x290]  }
0xc5: {  	v2 =	vld [tilespmem:s14+$0x680]  }
0xc6: {  	v1 =	vld [tilespmem:s14+$0x690]  }
0xc7: {  	v3 =	vld [tilespmem:s14+$0x2F0]  }
0xc8: {  	v4 =	vld [tilespmem:s14+$0x2E0]  }
0xc9: {  	v5 =	vld [tilespmem:s14+$0x2D0]  }
0xca: {  	v6 =	vld [tilespmem:s14+$0x2C0]  }
0xcb: {  	v8 =	vld [tilespmem:s14+$0x2B0];
	v9 =	vperm.xlane v2, v0;
	v2 =	vperm.xlane v1, v0  }
0xcc: {  	s13 =	simm.s32 $0x400;
	v10 =	vld [tilespmem:s14+$0x2A0];
	v12 =	vperm.xlane v3, v0  }
0xcd: {  	v11 =	vld [tilespmem:s13+$0x680];
	v3 =	vsel vm0, v9, v2  }
0xce: {  	v4 =	vperm.xlane v4, v0;
	v2 =	vld [tilespmem:s13+$0x690];
	v9 =	vsel vm0, v12, v9;
	[tilespmem:s14+$0x2F0] =	vst v3  }
0xcf: {  	v3 =	vld [tilespmem:s13+$0x2F0];
	[tilespmem:s14+$0x2E0] =	vst v9;
	v9 =	vperm.xlane v5, v0  }
0xd0: {  	v63 =	vperm.xlane v6, v0;
	v12 =	vsel vm0, v4, v12  }
0xd1: {  	v13 =	vperm.xlane v8, v0;
	v5 =	vld [tilespmem:s13+$0x2E0];
	[tilespmem:s14+$0x2D0] =	vst v12;
	v6 =	vsel vm0, v9, v4  }
0xd2: {  	v14 =	vperm.xlane v7, v0;
	v10 =	vperm.xlane v10, v0;
	v4 =	vld [tilespmem:s13+$0x2D0];
	v8 =	vsel vm0, v63, v9;
	[tilespmem:s14+$0x2C0] =	vst v6  }
0xd3: {  	v12 =	vsel vm0, v13, v63;
	v9 =	vperm.xlane v2, v0;
	v6 =	vld [tilespmem:s13+$0x2C0];
	[tilespmem:s14+$0x2B0] =	vst v8  }
0xd4: {  	s15 =	simm.s32 $0x2000;
	v8 =	vperm.xlane v11, v0;
	v11 =	vsel vm0, v14, v10;
	v10 =	vsel vm0, v10, v13;
	v7 =	vld [tilespmem:s13+$0x2B0];
	[tilespmem:s14+$0x2A0] =	vst v12  }
.LBB2_13:
0xd5: {  	s16 =	sshra.s32 s15, $0x2;
	p0 =	sne.s32 s15, $0x3F000;
	s15 =	sadd.s32 $0x1000, s15;
	v12 =	vld [tilespmem:s13+$0x2A0];
	v13 =	vperm.xlane v3, v0;
	[tilespmem:s14+$0x280] =	vst v11;
	v11 =	vmov v1;
	v1 =	vmov v2  }
0xd6: {  	v14 =	vld [tilespmem:s16+$0x680];
	v15 =	vperm.xlane v5, v0;
	v3 =	vsel vm0, v8, v9;
	[tilespmem:s14+$0x290] =	vst v10;
	s14 =	smov.u32 s13;
	s13 =	smov.u32 s16  }
0xd7: {  	v2 =	vld [tilespmem:s13+$0x690];
	v9 =	vperm.xlane v4, v0;
	v4 =	vsel vm0, v13, v8;
	[tilespmem:s14+$0x2F0] =	vst v3  }
.Ltmp5:
0xd8: {  	v3 =	vld [tilespmem:s13+$0x2F0];
	v10 =	vperm.xlane v6, v0;
	v6 =	vsel vm0, v15, v13;
	[tilespmem:s14+$0x2E0] =	vst v4;
	(pc) =	sbr.rel @p0 .LBB2_13-.Ltmp5, $4  }
0xd9: {  	v5 =	vld [tilespmem:s13+$0x2E0];
	v13 =	vperm.xlane v7, v0;
	v7 =	vsel vm0, v9, v15;
	[tilespmem:s14+$0x2D0] =	vst v6  }
0xda: {  	v11 =	vperm.xlane v11, v0;
	v4 =	vld [tilespmem:s13+$0x2D0];
	v12 =	vperm.xlane v12, v0;
	v9 =	vsel vm0, v10, v9;
	[tilespmem:s14+$0x2C0] =	vst v7  }
0xdb: {  	v6 =	vld [tilespmem:s13+$0x2C0];
	v8 =	vperm.xlane v14, v0;
	v14 =	vsel vm0, v13, v10;
	[tilespmem:s14+$0x2B0] =	vst v9  }
0xdc: {  	v7 =	vld [tilespmem:s13+$0x2B0];
	v9 =	vperm.xlane v2, v0;
	v11 =	vsel vm0, v11, v12;
	v10 =	vsel vm0, v12, v13;
	[tilespmem:s14+$0x2A0] =	vst v14  }
0xdd: {  	v2 =	vld [tilespmem:s13+$0x2A0];
	v3 =	vperm.xlane v3, v0;
	[tilespmem:s14+$0x280] =	vst v11  }
0xde: {  	[tilespmem:s14+$0x290] =	vst v10;
	v5 =	vperm.xlane v5, v0;
	v9 =	vsel vm0, v8, v9  }
0xdf: {  	v4 =	vperm.xlane v4, v0;
	v8 =	vsel vm0, v3, v8;
	[tilespmem:s13+$0x2F0] =	vst v9  }
0xe0: {  	v6 =	vperm.xlane v6, v0;
	v3 =	vsel vm0, v5, v3;
	[tilespmem:s13+$0x2E0] =	vst v8  }
0xe1: {  	v7 =	vperm.xlane v7, v0;
	v5 =	vsel vm0, v4, v5;
	[tilespmem:s13+$0x2D0] =	vst v3  }
0xe2: {  	v1 =	vperm.xlane v1, v0;
	v2 =	vperm.xlane v2, v0;
	v3 =	vsel vm0, v6, v4;
	[tilespmem:s13+$0x2C0] =	vst v5  }
0xe3: {  	v4 =	vsel vm0, v7, v6;
	[tilespmem:s13+$0x2B0] =	vst v3  }
0xe4: {  	v1 =	vsel vm0, v1, v2;
	[tilespmem:s13+$0x2A0] =	vst v4  }
0xe5: {  	v2 =	vsel vm0, v2, v7;
	[tilespmem:s13+$0x280] =	vst v1  }
0xe6: {  	[tilespmem:s13+$0x290] =	vst v2  }
0xe7: {  	s14 =	simm.s32 $0x0;
	v7 =	vld [tilespmem:$0x310]  }
0xe8: {  	v2 =	vld [tilespmem:s14+$0x700]  }
0xe9: {  	v1 =	vld [tilespmem:s14+$0x710]  }
0xea: {  	v3 =	vld [tilespmem:s14+$0x370]  }
0xeb: {  	v4 =	vld [tilespmem:s14+$0x360]  }
0xec: {  	v5 =	vld [tilespmem:s14+$0x350]  }
0xed: {  	v6 =	vld [tilespmem:s14+$0x340]  }
0xee: {  	v8 =	vld [tilespmem:s14+$0x330];
	v9 =	vperm.xlane v2, v0;
	v2 =	vperm.xlane v1, v0  }
0xef: {  	s13 =	simm.s32 $0x400;
	v10 =	vld [tilespmem:s14+$0x320];
	v12 =	vperm.xlane v3, v0  }
0xf0: {  	v11 =	vld [tilespmem:s13+$0x700];
	v3 =	vsel vm0, v9, v2  }
0xf1: {  	v4 =	vperm.xlane v4, v0;
	v2 =	vld [tilespmem:s13+$0x710];
	v9 =	vsel vm0, v12, v9;
	[tilespmem:s14+$0x370] =	vst v3  }
0xf2: {  	v3 =	vld [tilespmem:s13+$0x370];
	[tilespmem:s14+$0x360] =	vst v9;
	v9 =	vperm.xlane v5, v0  }
0xf3: {  	v63 =	vperm.xlane v6, v0;
	v12 =	vsel vm0, v4, v12  }
0xf4: {  	v13 =	vperm.xlane v8, v0;
	v5 =	vld [tilespmem:s13+$0x360];
	[tilespmem:s14+$0x350] =	vst v12;
	v6 =	vsel vm0, v9, v4  }
0xf5: {  	v14 =	vperm.xlane v7, v0;
	v10 =	vperm.xlane v10, v0;
	v4 =	vld [tilespmem:s13+$0x350];
	v8 =	vsel vm0, v63, v9;
	[tilespmem:s14+$0x340] =	vst v6  }
0xf6: {  	v12 =	vsel vm0, v13, v63;
	v9 =	vperm.xlane v2, v0;
	v6 =	vld [tilespmem:s13+$0x340];
	[tilespmem:s14+$0x330] =	vst v8  }
0xf7: {  	s15 =	simm.s32 $0x2000;
	v8 =	vperm.xlane v11, v0;
	v11 =	vsel vm0, v14, v10;
	v10 =	vsel vm0, v10, v13;
	v7 =	vld [tilespmem:s13+$0x330];
	[tilespmem:s14+$0x320] =	vst v12  }
.LBB2_15:
0xf8: {  	s16 =	sshra.s32 s15, $0x2;
	p0 =	sne.s32 s15, $0x3F000;
	s15 =	sadd.s32 $0x1000, s15;
	v12 =	vld [tilespmem:s13+$0x320];
	v13 =	vperm.xlane v3, v0;
	[tilespmem:s14+$0x300] =	vst v11;
	v11 =	vmov v1;
	v1 =	vmov v2  }
0xf9: {  	v14 =	vld [tilespmem:s16+$0x700];
	v15 =	vperm.xlane v5, v0;
	v3 =	vsel vm0, v8, v9;
	[tilespmem:s14+$0x310] =	vst v10;
	s14 =	smov.u32 s13;
	s13 =	smov.u32 s16  }
0xfa: {  	v2 =	vld [tilespmem:s13+$0x710];
	v9 =	vperm.xlane v4, v0;
	v4 =	vsel vm0, v13, v8;
	[tilespmem:s14+$0x370] =	vst v3  }
.Ltmp6:
0xfb: {  	v3 =	vld [tilespmem:s13+$0x370];
	v10 =	vperm.xlane v6, v0;
	v6 =	vsel vm0, v15, v13;
	[tilespmem:s14+$0x360] =	vst v4;
	(pc) =	sbr.rel @p0 .LBB2_15-.Ltmp6, $4  }
0xfc: {  	v5 =	vld [tilespmem:s13+$0x360];
	v13 =	vperm.xlane v7, v0;
	v7 =	vsel vm0, v9, v15;
	[tilespmem:s14+$0x350] =	vst v6  }
0xfd: {  	v11 =	vperm.xlane v11, v0;
	v4 =	vld [tilespmem:s13+$0x350];
	v12 =	vperm.xlane v12, v0;
	v9 =	vsel vm0, v10, v9;
	[tilespmem:s14+$0x340] =	vst v7  }
0xfe: {  	v6 =	vld [tilespmem:s13+$0x340];
	v8 =	vperm.xlane v14, v0;
	v14 =	vsel vm0, v13, v10;
	[tilespmem:s14+$0x330] =	vst v9  }
0xff: {  	v7 =	vld [tilespmem:s13+$0x330];
	v9 =	vperm.xlane v2, v0;
	v11 =	vsel vm0, v11, v12;
	v10 =	vsel vm0, v12, v13;
	[tilespmem:s14+$0x320] =	vst v14  }
0x100: {  	v2 =	vld [tilespmem:s13+$0x320];
	v3 =	vperm.xlane v3, v0;
	[tilespmem:s14+$0x300] =	vst v11  }
0x101: {  	[tilespmem:s14+$0x310] =	vst v10;
	v5 =	vperm.xlane v5, v0;
	v9 =	vsel vm0, v8, v9  }
0x102: {  	v4 =	vperm.xlane v4, v0;
	v8 =	vsel vm0, v3, v8;
	[tilespmem:s13+$0x370] =	vst v9  }
0x103: {  	v6 =	vperm.xlane v6, v0;
	v3 =	vsel vm0, v5, v3;
	[tilespmem:s13+$0x360] =	vst v8  }
0x104: {  	v7 =	vperm.xlane v7, v0;
	v5 =	vsel vm0, v4, v5;
	[tilespmem:s13+$0x350] =	vst v3  }
0x105: {  	v1 =	vperm.xlane v1, v0;
	v2 =	vperm.xlane v2, v0;
	v3 =	vsel vm0, v6, v4;
	[tilespmem:s13+$0x340] =	vst v5  }
0x106: {  	v4 =	vsel vm0, v7, v6;
	[tilespmem:s13+$0x330] =	vst v3  }
0x107: {  	v1 =	vsel vm0, v1, v2;
	[tilespmem:s13+$0x320] =	vst v4  }
0x108: {  	v2 =	vsel vm0, v2, v7;
	[tilespmem:s13+$0x300] =	vst v1  }
0x109: {  	[tilespmem:s13+$0x310] =	vst v2  }
0x10a: {  	s14 =	simm.s32 $0x0;
	v7 =	vld [tilespmem:$0x390]  }
0x10b: {  	v2 =	vld [tilespmem:s14+$0x780]  }
0x10c: {  	v1 =	vld [tilespmem:s14+$0x790]  }
0x10d: {  	v3 =	vld [tilespmem:s14+$0x3F0]  }
0x10e: {  	v4 =	vld [tilespmem:s14+$0x3E0]  }
0x10f: {  	v5 =	vld [tilespmem:s14+$0x3D0]  }
0x110: {  	v6 =	vld [tilespmem:s14+$0x3C0]  }
0x111: {  	v8 =	vld [tilespmem:s14+$0x3B0];
	v9 =	vperm.xlane v2, v0;
	v2 =	vperm.xlane v1, v0  }
0x112: {  	s13 =	simm.s32 $0x400;
	v10 =	vld [tilespmem:s14+$0x3A0];
	v12 =	vperm.xlane v3, v0  }
0x113: {  	v11 =	vld [tilespmem:s13+$0x780];
	v3 =	vsel vm0, v9, v2  }
0x114: {  	v4 =	vperm.xlane v4, v0;
	v2 =	vld [tilespmem:s13+$0x790];
	v9 =	vsel vm0, v12, v9;
	[tilespmem:s14+$0x3F0] =	vst v3  }
0x115: {  	v3 =	vld [tilespmem:s13+$0x3F0];
	[tilespmem:s14+$0x3E0] =	vst v9;
	v9 =	vperm.xlane v5, v0  }
0x116: {  	v63 =	vperm.xlane v6, v0;
	v12 =	vsel vm0, v4, v12  }
0x117: {  	v13 =	vperm.xlane v8, v0;
	v5 =	vld [tilespmem:s13+$0x3E0];
	[tilespmem:s14+$0x3D0] =	vst v12;
	v6 =	vsel vm0, v9, v4  }
0x118: {  	v14 =	vperm.xlane v7, v0;
	v10 =	vperm.xlane v10, v0;
	v4 =	vld [tilespmem:s13+$0x3D0];
	v8 =	vsel vm0, v63, v9;
	[tilespmem:s14+$0x3C0] =	vst v6  }
0x119: {  	v12 =	vsel vm0, v13, v63;
	v9 =	vperm.xlane v2, v0;
	v6 =	vld [tilespmem:s13+$0x3C0];
	[tilespmem:s14+$0x3B0] =	vst v8  }
0x11a: {  	s15 =	simm.s32 $0x2000;
	v8 =	vperm.xlane v11, v0;
	v11 =	vsel vm0, v14, v10;
	v10 =	vsel vm0, v10, v13;
	v7 =	vld [tilespmem:s13+$0x3B0];
	[tilespmem:s14+$0x3A0] =	vst v12  }
.LBB2_17:
0x11b: {  	s16 =	sshra.s32 s15, $0x2;
	p0 =	sne.s32 s15, $0x3F000;
	s15 =	sadd.s32 $0x1000, s15;
	v12 =	vld [tilespmem:s13+$0x3A0];
	v13 =	vperm.xlane v3, v0;
	[tilespmem:s14+$0x380] =	vst v11;
	v11 =	vmov v1;
	v1 =	vmov v2  }
0x11c: {  	v14 =	vld [tilespmem:s16+$0x780];
	v15 =	vperm.xlane v5, v0;
	v3 =	vsel vm0, v8, v9;
	[tilespmem:s14+$0x390] =	vst v10;
	s14 =	smov.u32 s13;
	s13 =	smov.u32 s16  }
0x11d: {  	v2 =	vld [tilespmem:s13+$0x790];
	v9 =	vperm.xlane v4, v0;
	v4 =	vsel vm0, v13, v8;
	[tilespmem:s14+$0x3F0] =	vst v3  }
.Ltmp7:
0x11e: {  	v3 =	vld [tilespmem:s13+$0x3F0];
	v10 =	vperm.xlane v6, v0;
	v6 =	vsel vm0, v15, v13;
	[tilespmem:s14+$0x3E0] =	vst v4;
	(pc) =	sbr.rel @p0 .LBB2_17-.Ltmp7, $4  }
0x11f: {  	v5 =	vld [tilespmem:s13+$0x3E0];
	v13 =	vperm.xlane v7, v0;
	v7 =	vsel vm0, v9, v15;
	[tilespmem:s14+$0x3D0] =	vst v6  }
0x120: {  	v11 =	vperm.xlane v11, v0;
	v4 =	vld [tilespmem:s13+$0x3D0];
	v12 =	vperm.xlane v12, v0;
	v9 =	vsel vm0, v10, v9;
	[tilespmem:s14+$0x3C0] =	vst v7  }
0x121: {  	v6 =	vld [tilespmem:s13+$0x3C0];
	v8 =	vperm.xlane v14, v0;
	v14 =	vsel vm0, v13, v10;
	[tilespmem:s14+$0x3B0] =	vst v9  }
0x122: {  	v7 =	vld [tilespmem:s13+$0x3B0];
	v9 =	vperm.xlane v2, v0;
	v11 =	vsel vm0, v11, v12;
	v10 =	vsel vm0, v12, v13;
	[tilespmem:s14+$0x3A0] =	vst v14  }
0x123: {  	v2 =	vld [tilespmem:s13+$0x3A0];
	v3 =	vperm.xlane v3, v0;
	[tilespmem:s14+$0x380] =	vst v11  }
0x124: {  	[tilespmem:s14+$0x390] =	vst v10;
	v5 =	vperm.xlane v5, v0;
	v9 =	vsel vm0, v8, v9  }
0x125: {  	v4 =	vperm.xlane v4, v0;
	v62 =	vsel vm0, v3, v8;
	[tilespmem:s13+$0x3F0] =	vst v9  }
0x126: {  	v6 =	vperm.xlane v6, v0;
	v3 =	vsel vm0, v5, v3;
	[tilespmem:s13+$0x3E0] =	vst v62  }
0x127: {  	v7 =	vperm.xlane v7, v0;
	v5 =	vsel vm0, v4, v5;
	[tilespmem:s13+$0x3D0] =	vst v3  }
0x128: {  	v1 =	vperm.xlane v1, v0;
	v2 =	vperm.xlane v2, v0;
	v3 =	vsel vm0, v6, v4;
	[tilespmem:s13+$0x3C0] =	vst v5  }
0x129: {  	v63 =	vsel vm0, v7, v6;
	[tilespmem:s13+$0x3B0] =	vst v3  }
0x12a: {  	s11 =	sadd.s32 $0x1, s11;
	v1 =	vsel vm0, v1, v2;
	[tilespmem:s13+$0x3A0] =	vst v63  }
0x12b: {  	p0 =	sne.s32 s11, $0x8;
	v2 =	vsel vm0, v2, v7;
	[tilespmem:s13+$0x380] =	vst v1  }
.Ltmp8:
0x12c: {  	s12 =	sadd.s32 s2, s12;
	[tilespmem:s13+$0x390] =	vst v2;
	(pc) =	sbr.rel @p0 .LBB2_2-.Ltmp8, $4  }
0x12d: {  	[hbm4b:s12+s3] =	stream.linear.scatter [tilespmem:s3], [sflag:$0x1], $0x10000, $0x38;
	[tilespmem:$0x10400] =	vst v63  }
0x12e: {  	_ =	swait.ge [sflag:s8], $0x10000  }
0x12f: {  	[sflag:s8] =	ssyncset.done $0x0  }
0x130: {  	[sflag:s8] =	ssyncadd.s32 $0xFFFF0000  }
0x131: {  	s10 =	sadd.s32 $0x1, s10  }
0x132: {  	p0 =	sne.s32 s10, s7  }
.Ltmp9:
0x133: {  	_ = 	snop;
	(pc) =	sbr.rel @p0 .LBB2_1-.Ltmp9, $1  }
0x134: {  	_ =	sdelay $0x3  }
0x135: {  	_ =	sfence.sel $0x180000  }
0x136: {  	[bflag:$0x0] =	sbarrier.arrive $0xFFFF  }
0x137: {  	p0 =	sne.s32 s4, $0x0;
	_ =	strace $0x90000047  }
0x138: {  	s0 =	sadd.s32 @!p0 $0x100000, s0;
	[bflag:$0x2] =	sbarrier.arrive $0xFFFF  }
0x139: {  	[sflag:s0] =	ssyncadd.tile.s32 @!p0 $0x1;
	_ =	shalt  }
.Lfunc_end2:
_tile_overlayer_lowered:
.L_overlay_start_2:
0x13a: {  	(tag) =	ssettag $0x2  }
0x13b: {  	s0 =	rddreg [dreg:$0x0];
	s2 =	stileid.u32  }
0x13c: {  	s1 =	rddreg [dreg:$0x1];
	p0 =	sne.s32 s2, $0x0  }
0x13d: {  	s3 =	rddreg [dreg:$0x2];
	[bflag:$0x3] =	sbarrier.arrive $0xFFFF;
	s2 =	simm.s32 @!p0 $0x1C01  }
0x13e: {  	[timem:s3], [sflag:s2] =	dma.local @!p0 [hbm:s0], s1  }
0x13f: {  	s0 =	simm.s32 @!p0 $0x1  }
0x140: {  	_ =	swait.ge @!p0 [sflag:s0], s1  }
0x141: {  	s1 =	ssub.s32 @!p0 $0x0, s1;
	[sflag:s0] =	ssyncset.done @!p0 $0x0  }
0x142: {  	[sflag:s0] =	ssyncadd.s32 @!p0 s1  }
0x143: {  	[bflag:$0x3] =	sbarrier.arrive $0xFFFF  }
0x144: {  	_ =	shalt  }

</sc_bundles>
